<compile_context>
chip_gen: v7x
topology: tpu7x:2x2x1
jax: 0.10.2.dev20260603
libtpu: 0.0.44.dev20260713+nightly
codegen_flags: <defaults>
</compile_context>

<pallas_src>
import functools

import jax
import jax.numpy as jnp
from jax import lax
from jax.experimental import pallas as pl
from jax.experimental.pallas import tpu as pltpu
from jax.experimental.pallas import tpu_sc as plsc

EMB = 128
NC = 2
NS = 16
NW = NC * NS
NBUF = 4
DEPTH = 3
BR = 4


def _emb_kernel_body(n_chunks, rows_per_w, h, x_hbm, tab_hbm, out_hbm, idx_v,
                     bufs, gsem, osem):
    wid = lax.axis_index("s") * NC + lax.axis_index("c")
    base = wid * rows_per_w
    pltpu.sync_copy(x_hbm.at[pl.ds(base, rows_per_w)], idx_v)

    def gather(c, slot):
        for r in range(BR):
            pltpu.async_copy(tab_hbm.at[idx_v.at[c * BR + r]],
                             bufs.at[slot, r], gsem)

    def gather_wait(b):
        for r in range(BR):
            pltpu.make_async_copy(tab_hbm.at[idx_v.at[0]], bufs.at[b, r],
                                  gsem).wait()

    def out_slice(c):
        return out_hbm.at[pl.ds(base + c * BR, BR)]

    for c in range(DEPTH):
        gather(c, c)

    @pl.loop(0, n_chunks, step=NBUF)
    def _group(g):
        for b in range(NBUF):
            j = g + b

            @pl.when(j >= NBUF - DEPTH)
            def _():
                pltpu.make_async_copy(bufs.at[b], out_slice(j), osem).wait()

            gather_wait(b)
            pltpu.async_copy(bufs.at[b], out_slice(j), osem)

            @pl.when(j + DEPTH < n_chunks)
            def _():
                gather(j + DEPTH, (b + DEPTH) % NBUF)

    for b in range(NBUF - DEPTH):
        pltpu.make_async_copy(bufs.at[b], out_slice(0), osem).wait()


def _make_emb_call(bsz, h):
    rows_per_w = bsz // NW
    n_chunks = rows_per_w // BR
    mesh = plsc.VectorSubcoreMesh(core_axis_name="c", subcore_axis_name="s")
    return pl.kernel(
        functools.partial(_emb_kernel_body, n_chunks, rows_per_w, h),
        out_type=jax.ShapeDtypeStruct((bsz, h, EMB), jnp.float32),
        mesh=mesh,
        compiler_params=pltpu.CompilerParams(needs_layout_passes=True),
        scratch_types=[
            pltpu.VMEM((rows_per_w, h), jnp.int32),
            pltpu.VMEM((NBUF, BR, h, EMB), jnp.float32),
            pltpu.SemaphoreType.DMA,
            pltpu.SemaphoreType.DMA,
        ],
    )


def kernel(x, table):
    b, h = x.shape
    return _make_emb_call(b, h)(x.astype(jnp.int32), table)

# --- scband reference (transcript-rebuilt; emitter-appended) ---
"""Pipeline reference for scband-word-embedding-34875134444205 (READ-ONLY COPY).

The authoritative reference and input builder live on the scoring server;
editing this copy changes nothing except your own understanding.
"""

import jax, jax.numpy as jnp
import numpy as np

NTOKEN = 100000
EMB_DIM = 128
BATCH = 4096
HIST = 50


def setup_inputs(seed: int = 0) -> dict:
    key = jax.random.key(seed)
    k1, k2 = jax.random.split(key)
    x = jax.random.randint(k1, (BATCH, HIST), 0, NTOKEN, dtype=jnp.int64)
    table = jax.random.normal(k2, (NTOKEN, EMB_DIM), dtype=jnp.float32)
    # padding_idx=0 -> row 0 is zero
    table = table.at[0].set(0.0)
    return {"x": x, "table": table}


def reference(x, table):
    # nn.Embedding lookup (padding_idx handled via zeroed row 0 of table)
    emb = jnp.take(table, x, axis=0)
    # Dropout acts as identity in inference mode
    return emb

if __name__ == "__main__":
    import jax
    _d = setup_inputs()
    print(jax.jit(kernel)(*tuple(_d.values())))

</pallas_src>

<mosaic_0001>
#map = affine_map<(d0, d1) -> (0, 0)>
#map1 = affine_map<(d0, d1) -> (0, 0, 0)>
module attributes {stable_mosaic.version = 14 : i64} {
  func.func @_emb_kernel_body(%arg0: i32, %arg1: i32, %arg2: memref<4096x50xi32, #tpu.memory_space<hbm>>, %arg3: memref<100000x128xf32, #tpu.memory_space<hbm>>, %arg4: memref<4096x50x128xf32, #tpu.memory_space<hbm>>, %arg5: memref<128x50xi32, #tpu.memory_space<vmem>>, %arg6: memref<4x4x50x128xf32, #tpu.memory_space<vmem>>, %arg7: memref<!tpu.dma_semaphore, #tpu.memory_space<semaphore_mem>>, %arg8: memref<!tpu.dma_semaphore, #tpu.memory_space<semaphore_mem>>) attributes {dimension_semantics = [#tpu.dimension_semantics<core_parallel>, #tpu.dimension_semantics<subcore_parallel>], iteration_bounds = array<i64: 2, 16>, scalar_prefetch = 0 : i64, scratch_operands = 4 : i64, tpu.core_type = #tpu.core_type<sc_vector_subcore>, window_params = [{transform_indices = #map}, {transform_indices = #map}, {transform_indices = #map1}]} {
    %mul3A = arith.constant 2 : i32
    %mul3A_0 = arith.muli %arg1, %mul3A : i32
    %add3A = arith.addi %mul3A_0, %arg0 : i32
    %mul3A_1 = arith.constant 128 : i32
    %mul3A_2 = arith.muli %add3A, %mul3A_1 : i32
    "tpu.region"() ({
      %run_scoped3A = tpu.sem_alloc : memref<!tpu.dma_semaphore, #tpu.memory_space<semaphore_mem>>
      %dma_start3A_180 = arith.constant 0 : i32
      %dma_start3A_181 = tpu.memref_slice %arg2[%mul3A_2, %dma_start3A_180] : memref<4096x50xi32, #tpu.memory_space<hbm>> -> memref<128x50xi32, #tpu.memory_space<hbm>>
      %dma_start3A_182 = arith.constant 0 : i32
      %dma_start3A_183 = tpu.memref_slice %arg2[%mul3A_2, %dma_start3A_182] : memref<4096x50xi32, #tpu.memory_space<hbm>> -> memref<128x50xi32, #tpu.memory_space<hbm>>
      tpu.enqueue_dma source(%dma_start3A_183 : memref<128x50xi32, #tpu.memory_space<hbm>>) target(%arg5 : memref<128x50xi32, #tpu.memory_space<vmem>>) target_semaphore(%run_scoped3A : memref<!tpu.dma_semaphore, #tpu.memory_space<semaphore_mem>>)
      %dma_wait3A_184 = arith.constant 0 : i32
      %dma_wait3A_185 = tpu.memref_slice %arg2[%mul3A_2, %dma_wait3A_184] : memref<4096x50xi32, #tpu.memory_space<hbm>> -> memref<128x50xi32, #tpu.memory_space<hbm>>
      %dma_wait3A_186 = arith.constant 0 : i32
      %dma_wait3A_187 = tpu.memref_slice %arg2[%mul3A_2, %dma_wait3A_186] : memref<4096x50xi32, #tpu.memory_space<hbm>> -> memref<128x50xi32, #tpu.memory_space<hbm>>
      tpu.wait_dma2 semaphore(%run_scoped3A : memref<!tpu.dma_semaphore, #tpu.memory_space<semaphore_mem>>) src(%dma_wait3A_187 : memref<128x50xi32, #tpu.memory_space<hbm>>) dst(%arg5 : memref<128x50xi32, #tpu.memory_space<vmem>>)
      tpu.yield
    }) : () -> ()
    %dma_start3A = arith.constant 0 : i32
    %dma_start3A_3 = arith.constant 0 : i32
    %dma_start3A_4 = arith.constant 0 : i32
    %dma_start3A_5 = arith.constant 0 : i32
    %dma_start3A_6 = arith.constant 0 : i32
    %dma_start3A_7 = tpu.memref_slice %arg6[%dma_start3A_3, %dma_start3A_4, %dma_start3A_5, %dma_start3A_6] : memref<4x4x50x128xf32, #tpu.memory_space<vmem>> -> memref<1x1x50x128xf32, #tpu.memory_space<vmem>>
    %dma_start3A_8 = tpu.memref_squeeze %dma_start3A_7 : memref<1x1x50x128xf32, #tpu.memory_space<vmem>> -> memref<50x128xf32, #tpu.memory_space<vmem>>
    %dma_start3A_9 = arith.constant 0 : i32
    %dma_start3A_10 = tpu.memref_slice %arg5[%dma_start3A, %dma_start3A_9] : memref<128x50xi32, #tpu.memory_space<vmem>> -> memref<1x50xi32, #tpu.memory_space<vmem>>
    %dma_start3A_11 = tpu.memref_squeeze %dma_start3A_10 : memref<1x50xi32, #tpu.memory_space<vmem>> -> memref<50xi32, #tpu.memory_space<vmem>>
    %dma_start3A_12 = arith.constant 0 : i32
    %dma_start3A_13 = arith.constant 0 : i32
    %dma_start3A_14 = tpu.memref_slice %arg3[%dma_start3A_12, %dma_start3A_13] : memref<100000x128xf32, #tpu.memory_space<hbm>> -> memref<100000x128xf32, #tpu.memory_space<hbm>>
    tpu.enqueue_indirect_dma source(%dma_start3A_14 : memref<100000x128xf32, #tpu.memory_space<hbm>>) target(%dma_start3A_8 : memref<50x128xf32, #tpu.memory_space<vmem>>) offsets(%dma_start3A_11 : memref<50xi32, #tpu.memory_space<vmem>>) semaphore(%arg7 : memref<!tpu.dma_semaphore, #tpu.memory_space<semaphore_mem>>)
    %dma_start3A_15 = arith.constant 1 : i32
    %dma_start3A_16 = arith.constant 0 : i32
    %dma_start3A_17 = arith.constant 1 : i32
    %dma_start3A_18 = arith.constant 0 : i32
    %dma_start3A_19 = arith.constant 0 : i32
    %dma_start3A_20 = tpu.memref_slice %arg6[%dma_start3A_16, %dma_start3A_17, %dma_start3A_18, %dma_start3A_19] : memref<4x4x50x128xf32, #tpu.memory_space<vmem>> -> memref<1x1x50x128xf32, #tpu.memory_space<vmem>>
    %dma_start3A_21 = tpu.memref_squeeze %dma_start3A_20 : memref<1x1x50x128xf32, #tpu.memory_space<vmem>> -> memref<50x128xf32, #tpu.memory_space<vmem>>
    %dma_start3A_22 = arith.constant 0 : i32
    %dma_start3A_23 = tpu.memref_slice %arg5[%dma_start3A_15, %dma_start3A_22] : memref<128x50xi32, #tpu.memory_space<vmem>> -> memref<1x50xi32, #tpu.memory_space<vmem>>
    %dma_start3A_24 = tpu.memref_squeeze %dma_start3A_23 : memref<1x50xi32, #tpu.memory_space<vmem>> -> memref<50xi32, #tpu.memory_space<vmem>>
    %dma_start3A_25 = arith.constant 0 : i32
    %dma_start3A_26 = arith.constant 0 : i32
    %dma_start3A_27 = tpu.memref_slice %arg3[%dma_start3A_25, %dma_start3A_26] : memref<100000x128xf32, #tpu.memory_space<hbm>> -> memref<100000x128xf32, #tpu.memory_space<hbm>>
    tpu.enqueue_indirect_dma source(%dma_start3A_27 : memref<100000x128xf32, #tpu.memory_space<hbm>>) target(%dma_start3A_21 : memref<50x128xf32, #tpu.memory_space<vmem>>) offsets(%dma_start3A_24 : memref<50xi32, #tpu.memory_space<vmem>>) semaphore(%arg7 : memref<!tpu.dma_semaphore, #tpu.memory_space<semaphore_mem>>)
    %dma_start3A_28 = arith.constant 2 : i32
    %dma_start3A_29 = arith.constant 0 : i32
    %dma_start3A_30 = arith.constant 2 : i32
    %dma_start3A_31 = arith.constant 0 : i32
    %dma_start3A_32 = arith.constant 0 : i32
    %dma_start3A_33 = tpu.memref_slice %arg6[%dma_start3A_29, %dma_start3A_30, %dma_start3A_31, %dma_start3A_32] : memref<4x4x50x128xf32, #tpu.memory_space<vmem>> -> memref<1x1x50x128xf32, #tpu.memory_space<vmem>>
    %dma_start3A_34 = tpu.memref_squeeze %dma_start3A_33 : memref<1x1x50x128xf32, #tpu.memory_space<vmem>> -> memref<50x128xf32, #tpu.memory_space<vmem>>
    %dma_start3A_35 = arith.constant 0 : i32
    %dma_start3A_36 = tpu.memref_slice %arg5[%dma_start3A_28, %dma_start3A_35] : memref<128x50xi32, #tpu.memory_space<vmem>> -> memref<1x50xi32, #tpu.memory_space<vmem>>
    %dma_start3A_37 = tpu.memref_squeeze %dma_start3A_36 : memref<1x50xi32, #tpu.memory_space<vmem>> -> memref<50xi32, #tpu.memory_space<vmem>>
    %dma_start3A_38 = arith.constant 0 : i32
    %dma_start3A_39 = arith.constant 0 : i32
    %dma_start3A_40 = tpu.memref_slice %arg3[%dma_start3A_38, %dma_start3A_39] : memref<100000x128xf32, #tpu.memory_space<hbm>> -> memref<100000x128xf32, #tpu.memory_space<hbm>>
    tpu.enqueue_indirect_dma source(%dma_start3A_40 : memref<100000x128xf32, #tpu.memory_space<hbm>>) target(%dma_start3A_34 : memref<50x128xf32, #tpu.memory_space<vmem>>) offsets(%dma_start3A_37 : memref<50xi32, #tpu.memory_space<vmem>>) semaphore(%arg7 : memref<!tpu.dma_semaphore, #tpu.memory_space<semaphore_mem>>)
    %dma_start3A_41 = arith.constant 3 : i32
    %dma_start3A_42 = arith.constant 0 : i32
    %dma_start3A_43 = arith.constant 3 : i32
    %dma_start3A_44 = arith.constant 0 : i32
    %dma_start3A_45 = arith.constant 0 : i32
    %dma_start3A_46 = tpu.memref_slice %arg6[%dma_start3A_42, %dma_start3A_43, %dma_start3A_44, %dma_start3A_45] : memref<4x4x50x128xf32, #tpu.memory_space<vmem>> -> memref<1x1x50x128xf32, #tpu.memory_space<vmem>>
    %dma_start3A_47 = tpu.memref_squeeze %dma_start3A_46 : memref<1x1x50x128xf32, #tpu.memory_space<vmem>> -> memref<50x128xf32, #tpu.memory_space<vmem>>
    %dma_start3A_48 = arith.constant 0 : i32
    %dma_start3A_49 = tpu.memref_slice %arg5[%dma_start3A_41, %dma_start3A_48] : memref<128x50xi32, #tpu.memory_space<vmem>> -> memref<1x50xi32, #tpu.memory_space<vmem>>
    %dma_start3A_50 = tpu.memref_squeeze %dma_start3A_49 : memref<1x50xi32, #tpu.memory_space<vmem>> -> memref<50xi32, #tpu.memory_space<vmem>>
    %dma_start3A_51 = arith.constant 0 : i32
    %dma_start3A_52 = arith.constant 0 : i32
    %dma_start3A_53 = tpu.memref_slice %arg3[%dma_start3A_51, %dma_start3A_52] : memref<100000x128xf32, #tpu.memory_space<hbm>> -> memref<100000x128xf32, #tpu.memory_space<hbm>>
    tpu.enqueue_indirect_dma source(%dma_start3A_53 : memref<100000x128xf32, #tpu.memory_space<hbm>>) target(%dma_start3A_47 : memref<50x128xf32, #tpu.memory_space<vmem>>) offsets(%dma_start3A_50 : memref<50xi32, #tpu.memory_space<vmem>>) semaphore(%arg7 : memref<!tpu.dma_semaphore, #tpu.memory_space<semaphore_mem>>)
    %dma_start3A_54 = arith.constant 4 : i32
    %dma_start3A_55 = arith.constant 1 : i32
    %dma_start3A_56 = arith.constant 0 : i32
    %dma_start3A_57 = arith.constant 0 : i32
    %dma_start3A_58 = arith.constant 0 : i32
    %dma_start3A_59 = tpu.memref_slice %arg6[%dma_start3A_55, %dma_start3A_56, %dma_start3A_57, %dma_start3A_58] : memref<4x4x50x128xf32, #tpu.memory_space<vmem>> -> memref<1x1x50x128xf32, #tpu.memory_space<vmem>>
    %dma_start3A_60 = tpu.memref_squeeze %dma_start3A_59 : memref<1x1x50x128xf32, #tpu.memory_space<vmem>> -> memref<50x128xf32, #tpu.memory_space<vmem>>
    %dma_start3A_61 = arith.constant 0 : i32
    %dma_start3A_62 = tpu.memref_slice %arg5[%dma_start3A_54, %dma_start3A_61] : memref<128x50xi32, #tpu.memory_space<vmem>> -> memref<1x50xi32, #tpu.memory_space<vmem>>
    %dma_start3A_63 = tpu.memref_squeeze %dma_start3A_62 : memref<1x50xi32, #tpu.memory_space<vmem>> -> memref<50xi32, #tpu.memory_space<vmem>>
    %dma_start3A_64 = arith.constant 0 : i32
    %dma_start3A_65 = arith.constant 0 : i32
    %dma_start3A_66 = tpu.memref_slice %arg3[%dma_start3A_64, %dma_start3A_65] : memref<100000x128xf32, #tpu.memory_space<hbm>> -> memref<100000x128xf32, #tpu.memory_space<hbm>>
    tpu.enqueue_indirect_dma source(%dma_start3A_66 : memref<100000x128xf32, #tpu.memory_space<hbm>>) target(%dma_start3A_60 : memref<50x128xf32, #tpu.memory_space<vmem>>) offsets(%dma_start3A_63 : memref<50xi32, #tpu.memory_space<vmem>>) semaphore(%arg7 : memref<!tpu.dma_semaphore, #tpu.memory_space<semaphore_mem>>)
    %dma_start3A_67 = arith.constant 5 : i32
    %dma_start3A_68 = arith.constant 1 : i32
    %dma_start3A_69 = arith.constant 1 : i32
    %dma_start3A_70 = arith.constant 0 : i32
    %dma_start3A_71 = arith.constant 0 : i32
    %dma_start3A_72 = tpu.memref_slice %arg6[%dma_start3A_68, %dma_start3A_69, %dma_start3A_70, %dma_start3A_71] : memref<4x4x50x128xf32, #tpu.memory_space<vmem>> -> memref<1x1x50x128xf32, #tpu.memory_space<vmem>>
    %dma_start3A_73 = tpu.memref_squeeze %dma_start3A_72 : memref<1x1x50x128xf32, #tpu.memory_space<vmem>> -> memref<50x128xf32, #tpu.memory_space<vmem>>
    %dma_start3A_74 = arith.constant 0 : i32
    %dma_start3A_75 = tpu.memref_slice %arg5[%dma_start3A_67, %dma_start3A_74] : memref<128x50xi32, #tpu.memory_space<vmem>> -> memref<1x50xi32, #tpu.memory_space<vmem>>
    %dma_start3A_76 = tpu.memref_squeeze %dma_start3A_75 : memref<1x50xi32, #tpu.memory_space<vmem>> -> memref<50xi32, #tpu.memory_space<vmem>>
    %dma_start3A_77 = arith.constant 0 : i32
    %dma_start3A_78 = arith.constant 0 : i32
    %dma_start3A_79 = tpu.memref_slice %arg3[%dma_start3A_77, %dma_start3A_78] : memref<100000x128xf32, #tpu.memory_space<hbm>> -> memref<100000x128xf32, #tpu.memory_space<hbm>>
    tpu.enqueue_indirect_dma source(%dma_start3A_79 : memref<100000x128xf32, #tpu.memory_space<hbm>>) target(%dma_start3A_73 : memref<50x128xf32, #tpu.memory_space<vmem>>) offsets(%dma_start3A_76 : memref<50xi32, #tpu.memory_space<vmem>>) semaphore(%arg7 : memref<!tpu.dma_semaphore, #tpu.memory_space<semaphore_mem>>)
    %dma_start3A_80 = arith.constant 6 : i32
    %dma_start3A_81 = arith.constant 1 : i32
    %dma_start3A_82 = arith.constant 2 : i32
    %dma_start3A_83 = arith.constant 0 : i32
    %dma_start3A_84 = arith.constant 0 : i32
    %dma_start3A_85 = tpu.memref_slice %arg6[%dma_start3A_81, %dma_start3A_82, %dma_start3A_83, %dma_start3A_84] : memref<4x4x50x128xf32, #tpu.memory_space<vmem>> -> memref<1x1x50x128xf32, #tpu.memory_space<vmem>>
    %dma_start3A_86 = tpu.memref_squeeze %dma_start3A_85 : memref<1x1x50x128xf32, #tpu.memory_space<vmem>> -> memref<50x128xf32, #tpu.memory_space<vmem>>
    %dma_start3A_87 = arith.constant 0 : i32
    %dma_start3A_88 = tpu.memref_slice %arg5[%dma_start3A_80, %dma_start3A_87] : memref<128x50xi32, #tpu.memory_space<vmem>> -> memref<1x50xi32, #tpu.memory_space<vmem>>
    %dma_start3A_89 = tpu.memref_squeeze %dma_start3A_88 : memref<1x50xi32, #tpu.memory_space<vmem>> -> memref<50xi32, #tpu.memory_space<vmem>>
    %dma_start3A_90 = arith.constant 0 : i32
    %dma_start3A_91 = arith.constant 0 : i32
    %dma_start3A_92 = tpu.memref_slice %arg3[%dma_start3A_90, %dma_start3A_91] : memref<100000x128xf32, #tpu.memory_space<hbm>> -> memref<100000x128xf32, #tpu.memory_space<hbm>>
    tpu.enqueue_indirect_dma source(%dma_start3A_92 : memref<100000x128xf32, #tpu.memory_space<hbm>>) target(%dma_start3A_86 : memref<50x128xf32, #tpu.memory_space<vmem>>) offsets(%dma_start3A_89 : memref<50xi32, #tpu.memory_space<vmem>>) semaphore(%arg7 : memref<!tpu.dma_semaphore, #tpu.memory_space<semaphore_mem>>)
    %dma_start3A_93 = arith.constant 7 : i32
    %dma_start3A_94 = arith.constant 1 : i32
    %dma_start3A_95 = arith.constant 3 : i32
    %dma_start3A_96 = arith.constant 0 : i32
    %dma_start3A_97 = arith.constant 0 : i32
    %dma_start3A_98 = tpu.memref_slice %arg6[%dma_start3A_94, %dma_start3A_95, %dma_start3A_96, %dma_start3A_97] : memref<4x4x50x128xf32, #tpu.memory_space<vmem>> -> memref<1x1x50x128xf32, #tpu.memory_space<vmem>>
    %dma_start3A_99 = tpu.memref_squeeze %dma_start3A_98 : memref<1x1x50x128xf32, #tpu.memory_space<vmem>> -> memref<50x128xf32, #tpu.memory_space<vmem>>
    %dma_start3A_100 = arith.constant 0 : i32
    %dma_start3A_101 = tpu.memref_slice %arg5[%dma_start3A_93, %dma_start3A_100] : memref<128x50xi32, #tpu.memory_space<vmem>> -> memref<1x50xi32, #tpu.memory_space<vmem>>
    %dma_start3A_102 = tpu.memref_squeeze %dma_start3A_101 : memref<1x50xi32, #tpu.memory_space<vmem>> -> memref<50xi32, #tpu.memory_space<vmem>>
    %dma_start3A_103 = arith.constant 0 : i32
    %dma_start3A_104 = arith.constant 0 : i32
    %dma_start3A_105 = tpu.memref_slice %arg3[%dma_start3A_103, %dma_start3A_104] : memref<100000x128xf32, #tpu.memory_space<hbm>> -> memref<100000x128xf32, #tpu.memory_space<hbm>>
    tpu.enqueue_indirect_dma source(%dma_start3A_105 : memref<100000x128xf32, #tpu.memory_space<hbm>>) target(%dma_start3A_99 : memref<50x128xf32, #tpu.memory_space<vmem>>) offsets(%dma_start3A_102 : memref<50xi32, #tpu.memory_space<vmem>>) semaphore(%arg7 : memref<!tpu.dma_semaphore, #tpu.memory_space<semaphore_mem>>)
    %dma_start3A_106 = arith.constant 8 : i32
    %dma_start3A_107 = arith.constant 2 : i32
    %dma_start3A_108 = arith.constant 0 : i32
    %dma_start3A_109 = arith.constant 0 : i32
    %dma_start3A_110 = arith.constant 0 : i32
    %dma_start3A_111 = tpu.memref_slice %arg6[%dma_start3A_107, %dma_start3A_108, %dma_start3A_109, %dma_start3A_110] : memref<4x4x50x128xf32, #tpu.memory_space<vmem>> -> memref<1x1x50x128xf32, #tpu.memory_space<vmem>>
    %dma_start3A_112 = tpu.memref_squeeze %dma_start3A_111 : memref<1x1x50x128xf32, #tpu.memory_space<vmem>> -> memref<50x128xf32, #tpu.memory_space<vmem>>
    %dma_start3A_113 = arith.constant 0 : i32
    %dma_start3A_114 = tpu.memref_slice %arg5[%dma_start3A_106, %dma_start3A_113] : memref<128x50xi32, #tpu.memory_space<vmem>> -> memref<1x50xi32, #tpu.memory_space<vmem>>
    %dma_start3A_115 = tpu.memref_squeeze %dma_start3A_114 : memref<1x50xi32, #tpu.memory_space<vmem>> -> memref<50xi32, #tpu.memory_space<vmem>>
    %dma_start3A_116 = arith.constant 0 : i32
    %dma_start3A_117 = arith.constant 0 : i32
    %dma_start3A_118 = tpu.memref_slice %arg3[%dma_start3A_116, %dma_start3A_117] : memref<100000x128xf32, #tpu.memory_space<hbm>> -> memref<100000x128xf32, #tpu.memory_space<hbm>>
    tpu.enqueue_indirect_dma source(%dma_start3A_118 : memref<100000x128xf32, #tpu.memory_space<hbm>>) target(%dma_start3A_112 : memref<50x128xf32, #tpu.memory_space<vmem>>) offsets(%dma_start3A_115 : memref<50xi32, #tpu.memory_space<vmem>>) semaphore(%arg7 : memref<!tpu.dma_semaphore, #tpu.memory_space<semaphore_mem>>)
    %dma_start3A_119 = arith.constant 9 : i32
    %dma_start3A_120 = arith.constant 2 : i32
    %dma_start3A_121 = arith.constant 1 : i32
    %dma_start3A_122 = arith.constant 0 : i32
    %dma_start3A_123 = arith.constant 0 : i32
    %dma_start3A_124 = tpu.memref_slice %arg6[%dma_start3A_120, %dma_start3A_121, %dma_start3A_122, %dma_start3A_123] : memref<4x4x50x128xf32, #tpu.memory_space<vmem>> -> memref<1x1x50x128xf32, #tpu.memory_space<vmem>>
    %dma_start3A_125 = tpu.memref_squeeze %dma_start3A_124 : memref<1x1x50x128xf32, #tpu.memory_space<vmem>> -> memref<50x128xf32, #tpu.memory_space<vmem>>
    %dma_start3A_126 = arith.constant 0 : i32
    %dma_start3A_127 = tpu.memref_slice %arg5[%dma_start3A_119, %dma_start3A_126] : memref<128x50xi32, #tpu.memory_space<vmem>> -> memref<1x50xi32, #tpu.memory_space<vmem>>
    %dma_start3A_128 = tpu.memref_squeeze %dma_start3A_127 : memref<1x50xi32, #tpu.memory_space<vmem>> -> memref<50xi32, #tpu.memory_space<vmem>>
    %dma_start3A_129 = arith.constant 0 : i32
    %dma_start3A_130 = arith.constant 0 : i32
    %dma_start3A_131 = tpu.memref_slice %arg3[%dma_start3A_129, %dma_start3A_130] : memref<100000x128xf32, #tpu.memory_space<hbm>> -> memref<100000x128xf32, #tpu.memory_space<hbm>>
    tpu.enqueue_indirect_dma source(%dma_start3A_131 : memref<100000x128xf32, #tpu.memory_space<hbm>>) target(%dma_start3A_125 : memref<50x128xf32, #tpu.memory_space<vmem>>) offsets(%dma_start3A_128 : memref<50xi32, #tpu.memory_space<vmem>>) semaphore(%arg7 : memref<!tpu.dma_semaphore, #tpu.memory_space<semaphore_mem>>)
    %dma_start3A_132 = arith.constant 10 : i32
    %dma_start3A_133 = arith.constant 2 : i32
    %dma_start3A_134 = arith.constant 2 : i32
    %dma_start3A_135 = arith.constant 0 : i32
    %dma_start3A_136 = arith.constant 0 : i32
    %dma_start3A_137 = tpu.memref_slice %arg6[%dma_start3A_133, %dma_start3A_134, %dma_start3A_135, %dma_start3A_136] : memref<4x4x50x128xf32, #tpu.memory_space<vmem>> -> memref<1x1x50x128xf32, #tpu.memory_space<vmem>>
    %dma_start3A_138 = tpu.memref_squeeze %dma_start3A_137 : memref<1x1x50x128xf32, #tpu.memory_space<vmem>> -> memref<50x128xf32, #tpu.memory_space<vmem>>
    %dma_start3A_139 = arith.constant 0 : i32
    %dma_start3A_140 = tpu.memref_slice %arg5[%dma_start3A_132, %dma_start3A_139] : memref<128x50xi32, #tpu.memory_space<vmem>> -> memref<1x50xi32, #tpu.memory_space<vmem>>
    %dma_start3A_141 = tpu.memref_squeeze %dma_start3A_140 : memref<1x50xi32, #tpu.memory_space<vmem>> -> memref<50xi32, #tpu.memory_space<vmem>>
    %dma_start3A_142 = arith.constant 0 : i32
    %dma_start3A_143 = arith.constant 0 : i32
    %dma_start3A_144 = tpu.memref_slice %arg3[%dma_start3A_142, %dma_start3A_143] : memref<100000x128xf32, #tpu.memory_space<hbm>> -> memref<100000x128xf32, #tpu.memory_space<hbm>>
    tpu.enqueue_indirect_dma source(%dma_start3A_144 : memref<100000x128xf32, #tpu.memory_space<hbm>>) target(%dma_start3A_138 : memref<50x128xf32, #tpu.memory_space<vmem>>) offsets(%dma_start3A_141 : memref<50xi32, #tpu.memory_space<vmem>>) semaphore(%arg7 : memref<!tpu.dma_semaphore, #tpu.memory_space<semaphore_mem>>)
    %dma_start3A_145 = arith.constant 11 : i32
    %dma_start3A_146 = arith.constant 2 : i32
    %dma_start3A_147 = arith.constant 3 : i32
    %dma_start3A_148 = arith.constant 0 : i32
    %dma_start3A_149 = arith.constant 0 : i32
    %dma_start3A_150 = tpu.memref_slice %arg6[%dma_start3A_146, %dma_start3A_147, %dma_start3A_148, %dma_start3A_149] : memref<4x4x50x128xf32, #tpu.memory_space<vmem>> -> memref<1x1x50x128xf32, #tpu.memory_space<vmem>>
    %dma_start3A_151 = tpu.memref_squeeze %dma_start3A_150 : memref<1x1x50x128xf32, #tpu.memory_space<vmem>> -> memref<50x128xf32, #tpu.memory_space<vmem>>
    %dma_start3A_152 = arith.constant 0 : i32
    %dma_start3A_153 = tpu.memref_slice %arg5[%dma_start3A_145, %dma_start3A_152] : memref<128x50xi32, #tpu.memory_space<vmem>> -> memref<1x50xi32, #tpu.memory_space<vmem>>
    %dma_start3A_154 = tpu.memref_squeeze %dma_start3A_153 : memref<1x50xi32, #tpu.memory_space<vmem>> -> memref<50xi32, #tpu.memory_space<vmem>>
    %dma_start3A_155 = arith.constant 0 : i32
    %dma_start3A_156 = arith.constant 0 : i32
    %dma_start3A_157 = tpu.memref_slice %arg3[%dma_start3A_155, %dma_start3A_156] : memref<100000x128xf32, #tpu.memory_space<hbm>> -> memref<100000x128xf32, #tpu.memory_space<hbm>>
    tpu.enqueue_indirect_dma source(%dma_start3A_157 : memref<100000x128xf32, #tpu.memory_space<hbm>>) target(%dma_start3A_151 : memref<50x128xf32, #tpu.memory_space<vmem>>) offsets(%dma_start3A_154 : memref<50xi32, #tpu.memory_space<vmem>>) semaphore(%arg7 : memref<!tpu.dma_semaphore, #tpu.memory_space<semaphore_mem>>)
    %scan3A = arith.constant 0 : i32
    %scan3A_158 = arith.constant 8 : i32
    %scan3A_159 = arith.addi %scan3A, %scan3A_158 : i32
    %scan3A_160 = arith.constant 1 : i32
    scf.for %scan3A_180 = %scan3A to %scan3A_159 step %scan3A_160  : i32 {
      %mul3A_181 = arith.constant 4 : i32
      %mul3A_182 = arith.muli %scan3A_180, %mul3A_181 : i32
      %add3A_183 = arith.constant 0 : i32
      %add3A_184 = arith.addi %add3A_183, %mul3A_182 : i32
      %add3A_185 = arith.constant 0 : i32
      %add3A_186 = arith.addi %add3A_184, %add3A_185 : i32
      %ge3A = arith.constant 1 : i32
      %ge3A_187 = arith.cmpi sge, %add3A_186, %ge3A : i32
      %convert_element_type3A = arith.extui %ge3A_187 : i1 to i32
      %cond3A = arith.constant 0 : i32
      %cond3A_188 = arith.cmpi ne, %convert_element_type3A, %cond3A : i32
      scf.if %cond3A_188 {
        %mul3A_525 = arith.constant 4 : i32
        %mul3A_526 = arith.muli %add3A_186, %mul3A_525 : i32
        %add3A_527 = arith.addi %mul3A_2, %mul3A_526 : i32
        %dma_wait3A_528 = arith.constant 0 : i32
        %dma_wait3A_529 = arith.constant 0 : i32
        %dma_wait3A_530 = arith.constant 0 : i32
        %dma_wait3A_531 = arith.constant 0 : i32
        %dma_wait3A_532 = tpu.memref_slice %arg6[%dma_wait3A_528, %dma_wait3A_529, %dma_wait3A_530, %dma_wait3A_531] : memref<4x4x50x128xf32, #tpu.memory_space<vmem>> -> memref<1x4x50x128xf32, #tpu.memory_space<vmem>>
        %dma_wait3A_533 = tpu.memref_squeeze %dma_wait3A_532 : memref<1x4x50x128xf32, #tpu.memory_space<vmem>> -> memref<4x50x128xf32, #tpu.memory_space<vmem>>
        %dma_wait3A_534 = arith.constant 0 : i32
        %dma_wait3A_535 = arith.constant 0 : i32
        %dma_wait3A_536 = tpu.memref_slice %arg4[%add3A_527, %dma_wait3A_534, %dma_wait3A_535] : memref<4096x50x128xf32, #tpu.memory_space<hbm>> -> memref<4x50x128xf32, #tpu.memory_space<hbm>>
        %dma_wait3A_537 = arith.constant 0 : i32
        %dma_wait3A_538 = arith.constant 0 : i32
        %dma_wait3A_539 = tpu.memref_slice %arg4[%add3A_527, %dma_wait3A_537, %dma_wait3A_538] : memref<4096x50x128xf32, #tpu.memory_space<hbm>> -> memref<4x50x128xf32, #tpu.memory_space<hbm>>
        %dma_wait3A_540 = arith.constant 0 : i32
        %dma_wait3A_541 = arith.constant 0 : i32
        %dma_wait3A_542 = arith.constant 0 : i32
        %dma_wait3A_543 = tpu.memref_slice %arg6[%dma_wait3A_528, %dma_wait3A_540, %dma_wait3A_541, %dma_wait3A_542] : memref<4x4x50x128xf32, #tpu.memory_space<vmem>> -> memref<1x4x50x128xf32, #tpu.memory_space<vmem>>
        %dma_wait3A_544 = tpu.memref_squeeze %dma_wait3A_543 : memref<1x4x50x128xf32, #tpu.memory_space<vmem>> -> memref<4x50x128xf32, #tpu.memory_space<vmem>>
        tpu.wait_dma2 semaphore(%arg8 : memref<!tpu.dma_semaphore, #tpu.memory_space<semaphore_mem>>) src(%dma_wait3A_544 : memref<4x50x128xf32, #tpu.memory_space<vmem>>) dst(%dma_wait3A_539 : memref<4x50x128xf32, #tpu.memory_space<hbm>>)
      } else {
      }
      %dma_wait3A_189 = arith.constant 0 : i32
      %dma_wait3A_190 = arith.constant 0 : i32
      %dma_wait3A_191 = arith.constant 0 : i32
      %dma_wait3A_192 = arith.constant 0 : i32
      %dma_wait3A_193 = arith.constant 0 : i32
      %dma_wait3A_194 = tpu.memref_slice %arg6[%dma_wait3A_190, %dma_wait3A_191, %dma_wait3A_192, %dma_wait3A_193] : memref<4x4x50x128xf32, #tpu.memory_space<vmem>> -> memref<1x1x50x128xf32, #tpu.memory_space<vmem>>
      %dma_wait3A_195 = tpu.memref_squeeze %dma_wait3A_194 : memref<1x1x50x128xf32, #tpu.memory_space<vmem>> -> memref<50x128xf32, #tpu.memory_space<vmem>>
      %dma_wait3A_196 = arith.constant 0 : i32
      %dma_wait3A_197 = tpu.memref_slice %arg5[%dma_wait3A_189, %dma_wait3A_196] : memref<128x50xi32, #tpu.memory_space<vmem>> -> memref<1x50xi32, #tpu.memory_space<vmem>>
      %dma_wait3A_198 = tpu.memref_squeeze %dma_wait3A_197 : memref<1x50xi32, #tpu.memory_space<vmem>> -> memref<50xi32, #tpu.memory_space<vmem>>
      %dma_wait3A_199 = arith.constant 0 : i32
      %dma_wait3A_200 = arith.constant 0 : i32
      %dma_wait3A_201 = tpu.memref_slice %arg3[%dma_wait3A_199, %dma_wait3A_200] : memref<100000x128xf32, #tpu.memory_space<hbm>> -> memref<100000x128xf32, #tpu.memory_space<hbm>>
      tpu.wait_indirect_dma semaphore(%arg7 : memref<!tpu.dma_semaphore, #tpu.memory_space<semaphore_mem>>) src(%dma_wait3A_201 : memref<100000x128xf32, #tpu.memory_space<hbm>>) dst(%dma_wait3A_195 : memref<50x128xf32, #tpu.memory_space<vmem>>)
      %dma_wait3A_202 = arith.constant 0 : i32
      %dma_wait3A_203 = arith.constant 0 : i32
      %dma_wait3A_204 = arith.constant 1 : i32
      %dma_wait3A_205 = arith.constant 0 : i32
      %dma_wait3A_206 = arith.constant 0 : i32
      %dma_wait3A_207 = tpu.memref_slice %arg6[%dma_wait3A_203, %dma_wait3A_204, %dma_wait3A_205, %dma_wait3A_206] : memref<4x4x50x128xf32, #tpu.memory_space<vmem>> -> memref<1x1x50x128xf32, #tpu.memory_space<vmem>>
      %dma_wait3A_208 = tpu.memref_squeeze %dma_wait3A_207 : memref<1x1x50x128xf32, #tpu.memory_space<vmem>> -> memref<50x128xf32, #tpu.memory_space<vmem>>
      %dma_wait3A_209 = arith.constant 0 : i32
      %dma_wait3A_210 = tpu.memref_slice %arg5[%dma_wait3A_202, %dma_wait3A_209] : memref<128x50xi32, #tpu.memory_space<vmem>> -> memref<1x50xi32, #tpu.memory_space<vmem>>
      %dma_wait3A_211 = tpu.memref_squeeze %dma_wait3A_210 : memref<1x50xi32, #tpu.memory_space<vmem>> -> memref<50xi32, #tpu.memory_space<vmem>>
      %dma_wait3A_212 = arith.constant 0 : i32
      %dma_wait3A_213 = arith.constant 0 : i32
      %dma_wait3A_214 = tpu.memref_slice %arg3[%dma_wait3A_212, %dma_wait3A_213] : memref<100000x128xf32, #tpu.memory_space<hbm>> -> memref<100000x128xf32, #tpu.memory_space<hbm>>
      tpu.wait_indirect_dma semaphore(%arg7 : memref<!tpu.dma_semaphore, #tpu.memory_space<semaphore_mem>>) src(%dma_wait3A_214 : memref<100000x128xf32, #tpu.memory_space<hbm>>) dst(%dma_wait3A_208 : memref<50x128xf32, #tpu.memory_space<vmem>>)
      %dma_wait3A_215 = arith.constant 0 : i32
      %dma_wait3A_216 = arith.constant 0 : i32
      %dma_wait3A_217 = arith.constant 2 : i32
      %dma_wait3A_218 = arith.constant 0 : i32
      %dma_wait3A_219 = arith.constant 0 : i32
      %dma_wait3A_220 = tpu.memref_slice %arg6[%dma_wait3A_216, %dma_wait3A_217, %dma_wait3A_218, %dma_wait3A_219] : memref<4x4x50x128xf32, #tpu.memory_space<vmem>> -> memref<1x1x50x128xf32, #tpu.memory_space<vmem>>
      %dma_wait3A_221 = tpu.memref_squeeze %dma_wait3A_220 : memref<1x1x50x128xf32, #tpu.memory_space<vmem>> -> memref<50x128xf32, #tpu.memory_space<vmem>>
      %dma_wait3A_222 = arith.constant 0 : i32
      %dma_wait3A_223 = tpu.memref_slice %arg5[%dma_wait3A_215, %dma_wait3A_222] : memref<128x50xi32, #tpu.memory_space<vmem>> -> memref<1x50xi32, #tpu.memory_space<vmem>>
      %dma_wait3A_224 = tpu.memref_squeeze %dma_wait3A_223 : memref<1x50xi32, #tpu.memory_space<vmem>> -> memref<50xi32, #tpu.memory_space<vmem>>
      %dma_wait3A_225 = arith.constant 0 : i32
      %dma_wait3A_226 = arith.constant 0 : i32
      %dma_wait3A_227 = tpu.memref_slice %arg3[%dma_wait3A_225, %dma_wait3A_226] : memref<100000x128xf32, #tpu.memory_space<hbm>> -> memref<100000x128xf32, #tpu.memory_space<hbm>>
      tpu.wait_indirect_dma semaphore(%arg7 : memref<!tpu.dma_semaphore, #tpu.memory_space<semaphore_mem>>) src(%dma_wait3A_227 : memref<100000x128xf32, #tpu.memory_space<hbm>>) dst(%dma_wait3A_221 : memref<50x128xf32, #tpu.memory_space<vmem>>)
      %dma_wait3A_228 = arith.constant 0 : i32
      %dma_wait3A_229 = arith.constant 0 : i32
      %dma_wait3A_230 = arith.constant 3 : i32
      %dma_wait3A_231 = arith.constant 0 : i32
      %dma_wait3A_232 = arith.constant 0 : i32
      %dma_wait3A_233 = tpu.memref_slice %arg6[%dma_wait3A_229, %dma_wait3A_230, %dma_wait3A_231, %dma_wait3A_232] : memref<4x4x50x128xf32, #tpu.memory_space<vmem>> -> memref<1x1x50x128xf32, #tpu.memory_space<vmem>>
      %dma_wait3A_234 = tpu.memref_squeeze %dma_wait3A_233 : memref<1x1x50x128xf32, #tpu.memory_space<vmem>> -> memref<50x128xf32, #tpu.memory_space<vmem>>
      %dma_wait3A_235 = arith.constant 0 : i32
      %dma_wait3A_236 = tpu.memref_slice %arg5[%dma_wait3A_228, %dma_wait3A_235] : memref<128x50xi32, #tpu.memory_space<vmem>> -> memref<1x50xi32, #tpu.memory_space<vmem>>
      %dma_wait3A_237 = tpu.memref_squeeze %dma_wait3A_236 : memref<1x50xi32, #tpu.memory_space<vmem>> -> memref<50xi32, #tpu.memory_space<vmem>>
      %dma_wait3A_238 = arith.constant 0 : i32
      %dma_wait3A_239 = arith.constant 0 : i32
      %dma_wait3A_240 = tpu.memref_slice %arg3[%dma_wait3A_238, %dma_wait3A_239] : memref<100000x128xf32, #tpu.memory_space<hbm>> -> memref<100000x128xf32, #tpu.memory_space<hbm>>
      tpu.wait_indirect_dma semaphore(%arg7 : memref<!tpu.dma_semaphore, #tpu.memory_space<semaphore_mem>>) src(%dma_wait3A_240 : memref<100000x128xf32, #tpu.memory_space<hbm>>) dst(%dma_wait3A_234 : memref<50x128xf32, #tpu.memory_space<vmem>>)
      %mul3A_241 = arith.constant 4 : i32
      %mul3A_242 = arith.muli %add3A_186, %mul3A_241 : i32
      %add3A_243 = arith.addi %mul3A_2, %mul3A_242 : i32
      %dma_start3A_244 = arith.constant 0 : i32
      %dma_start3A_245 = arith.constant 0 : i32
      %dma_start3A_246 = arith.constant 0 : i32
      %dma_start3A_247 = arith.constant 0 : i32
      %dma_start3A_248 = tpu.memref_slice %arg6[%dma_start3A_244, %dma_start3A_245, %dma_start3A_246, %dma_start3A_247] : memref<4x4x50x128xf32, #tpu.memory_space<vmem>> -> memref<1x4x50x128xf32, #tpu.memory_space<vmem>>
      %dma_start3A_249 = tpu.memref_squeeze %dma_start3A_248 : memref<1x4x50x128xf32, #tpu.memory_space<vmem>> -> memref<4x50x128xf32, #tpu.memory_space<vmem>>
      %dma_start3A_250 = arith.constant 0 : i32
      %dma_start3A_251 = arith.constant 0 : i32
      %dma_start3A_252 = tpu.memref_slice %arg4[%add3A_243, %dma_start3A_250, %dma_start3A_251] : memref<4096x50x128xf32, #tpu.memory_space<hbm>> -> memref<4x50x128xf32, #tpu.memory_space<hbm>>
      %dma_start3A_253 = arith.constant 0 : i32
      %dma_start3A_254 = arith.constant 0 : i32
      %dma_start3A_255 = tpu.memref_slice %arg4[%add3A_243, %dma_start3A_253, %dma_start3A_254] : memref<4096x50x128xf32, #tpu.memory_space<hbm>> -> memref<4x50x128xf32, #tpu.memory_space<hbm>>
      %dma_start3A_256 = arith.constant 0 : i32
      %dma_start3A_257 = arith.constant 0 : i32
      %dma_start3A_258 = arith.constant 0 : i32
      %dma_start3A_259 = tpu.memref_slice %arg6[%dma_start3A_244, %dma_start3A_256, %dma_start3A_257, %dma_start3A_258] : memref<4x4x50x128xf32, #tpu.memory_space<vmem>> -> memref<1x4x50x128xf32, #tpu.memory_space<vmem>>
      %dma_start3A_260 = tpu.memref_squeeze %dma_start3A_259 : memref<1x4x50x128xf32, #tpu.memory_space<vmem>> -> memref<4x50x128xf32, #tpu.memory_space<vmem>>
      tpu.enqueue_dma source(%dma_start3A_260 : memref<4x50x128xf32, #tpu.memory_space<vmem>>) target(%dma_start3A_255 : memref<4x50x128xf32, #tpu.memory_space<hbm>>) target_semaphore(%arg8 : memref<!tpu.dma_semaphore, #tpu.memory_space<semaphore_mem>>)
      %add3A_261 = arith.constant 3 : i32
      %add3A_262 = arith.addi %add3A_186, %add3A_261 : i32
      %lt3A = arith.constant 32 : i32
      %lt3A_263 = arith.cmpi slt, %add3A_262, %lt3A : i32
      %convert_element_type3A_264 = arith.extui %lt3A_263 : i1 to i32
      %cond3A_265 = arith.constant 0 : i32
      %cond3A_266 = arith.cmpi ne, %convert_element_type3A_264, %cond3A_265 : i32
      scf.if %cond3A_266 {
        %add3A_525 = arith.constant 3 : i32
        %add3A_526 = arith.addi %add3A_186, %add3A_525 : i32
        %mul3A_527 = arith.constant 4 : i32
        %mul3A_528 = arith.muli %add3A_526, %mul3A_527 : i32
        %add3A_529 = arith.constant 0 : i32
        %add3A_530 = arith.addi %mul3A_528, %add3A_529 : i32
        %dma_start3A_531 = arith.constant 3 : i32
        %dma_start3A_532 = arith.constant 0 : i32
        %dma_start3A_533 = arith.constant 0 : i32
        %dma_start3A_534 = arith.constant 0 : i32
        %dma_start3A_535 = tpu.memref_slice %arg6[%dma_start3A_531, %dma_start3A_532, %dma_start3A_533, %dma_start3A_534] : memref<4x4x50x128xf32, #tpu.memory_space<vmem>> -> memref<1x1x50x128xf32, #tpu.memory_space<vmem>>
        %dma_start3A_536 = tpu.memref_squeeze %dma_start3A_535 : memref<1x1x50x128xf32, #tpu.memory_space<vmem>> -> memref<50x128xf32, #tpu.memory_space<vmem>>
        %dma_start3A_537 = arith.constant 0 : i32
        %dma_start3A_538 = tpu.memref_slice %arg5[%add3A_530, %dma_start3A_537] : memref<128x50xi32, #tpu.memory_space<vmem>> -> memref<1x50xi32, #tpu.memory_space<vmem>>
        %dma_start3A_539 = tpu.memref_squeeze %dma_start3A_538 : memref<1x50xi32, #tpu.memory_space<vmem>> -> memref<50xi32, #tpu.memory_space<vmem>>
        %dma_start3A_540 = arith.constant 0 : i32
        %dma_start3A_541 = arith.constant 0 : i32
        %dma_start3A_542 = tpu.memref_slice %arg3[%dma_start3A_540, %dma_start3A_541] : memref<100000x128xf32, #tpu.memory_space<hbm>> -> memref<100000x128xf32, #tpu.memory_space<hbm>>
        tpu.enqueue_indirect_dma source(%dma_start3A_542 : memref<100000x128xf32, #tpu.memory_space<hbm>>) target(%dma_start3A_536 : memref<50x128xf32, #tpu.memory_space<vmem>>) offsets(%dma_start3A_539 : memref<50xi32, #tpu.memory_space<vmem>>) semaphore(%arg7 : memref<!tpu.dma_semaphore, #tpu.memory_space<semaphore_mem>>)
        %mul3A_543 = arith.constant 4 : i32
        %mul3A_544 = arith.muli %add3A_526, %mul3A_543 : i32
        %add3A_545 = arith.constant 1 : i32
        %add3A_546 = arith.addi %mul3A_544, %add3A_545 : i32
        %dma_start3A_547 = arith.constant 3 : i32
        %dma_start3A_548 = arith.constant 1 : i32
        %dma_start3A_549 = arith.constant 0 : i32
        %dma_start3A_550 = arith.constant 0 : i32
        %dma_start3A_551 = tpu.memref_slice %arg6[%dma_start3A_547, %dma_start3A_548, %dma_start3A_549, %dma_start3A_550] : memref<4x4x50x128xf32, #tpu.memory_space<vmem>> -> memref<1x1x50x128xf32, #tpu.memory_space<vmem>>
        %dma_start3A_552 = tpu.memref_squeeze %dma_start3A_551 : memref<1x1x50x128xf32, #tpu.memory_space<vmem>> -> memref<50x128xf32, #tpu.memory_space<vmem>>
        %dma_start3A_553 = arith.constant 0 : i32
        %dma_start3A_554 = tpu.memref_slice %arg5[%add3A_546, %dma_start3A_553] : memref<128x50xi32, #tpu.memory_space<vmem>> -> memref<1x50xi32, #tpu.memory_space<vmem>>
        %dma_start3A_555 = tpu.memref_squeeze %dma_start3A_554 : memref<1x50xi32, #tpu.memory_space<vmem>> -> memref<50xi32, #tpu.memory_space<vmem>>
        %dma_start3A_556 = arith.constant 0 : i32
        %dma_start3A_557 = arith.constant 0 : i32
        %dma_start3A_558 = tpu.memref_slice %arg3[%dma_start3A_556, %dma_start3A_557] : memref<100000x128xf32, #tpu.memory_space<hbm>> -> memref<100000x128xf32, #tpu.memory_space<hbm>>
        tpu.enqueue_indirect_dma source(%dma_start3A_558 : memref<100000x128xf32, #tpu.memory_space<hbm>>) target(%dma_start3A_552 : memref<50x128xf32, #tpu.memory_space<vmem>>) offsets(%dma_start3A_555 : memref<50xi32, #tpu.memory_space<vmem>>) semaphore(%arg7 : memref<!tpu.dma_semaphore, #tpu.memory_space<semaphore_mem>>)
        %mul3A_559 = arith.constant 4 : i32
        %mul3A_560 = arith.muli %add3A_526, %mul3A_559 : i32
        %add3A_561 = arith.constant 2 : i32
        %add3A_562 = arith.addi %mul3A_560, %add3A_561 : i32
        %dma_start3A_563 = arith.constant 3 : i32
        %dma_start3A_564 = arith.constant 2 : i32
        %dma_start3A_565 = arith.constant 0 : i32
        %dma_start3A_566 = arith.constant 0 : i32
        %dma_start3A_567 = tpu.memref_slice %arg6[%dma_start3A_563, %dma_start3A_564, %dma_start3A_565, %dma_start3A_566] : memref<4x4x50x128xf32, #tpu.memory_space<vmem>> -> memref<1x1x50x128xf32, #tpu.memory_space<vmem>>
        %dma_start3A_568 = tpu.memref_squeeze %dma_start3A_567 : memref<1x1x50x128xf32, #tpu.memory_space<vmem>> -> memref<50x128xf32, #tpu.memory_space<vmem>>
        %dma_start3A_569 = arith.constant 0 : i32
        %dma_start3A_570 = tpu.memref_slice %arg5[%add3A_562, %dma_start3A_569] : memref<128x50xi32, #tpu.memory_space<vmem>> -> memref<1x50xi32, #tpu.memory_space<vmem>>
        %dma_start3A_571 = tpu.memref_squeeze %dma_start3A_570 : memref<1x50xi32, #tpu.memory_space<vmem>> -> memref<50xi32, #tpu.memory_space<vmem>>
        %dma_start3A_572 = arith.constant 0 : i32
        %dma_start3A_573 = arith.constant 0 : i32
        %dma_start3A_574 = tpu.memref_slice %arg3[%dma_start3A_572, %dma_start3A_573] : memref<100000x128xf32, #tpu.memory_space<hbm>> -> memref<100000x128xf32, #tpu.memory_space<hbm>>
        tpu.enqueue_indirect_dma source(%dma_start3A_574 : memref<100000x128xf32, #tpu.memory_space<hbm>>) target(%dma_start3A_568 : memref<50x128xf32, #tpu.memory_space<vmem>>) offsets(%dma_start3A_571 : memref<50xi32, #tpu.memory_space<vmem>>) semaphore(%arg7 : memref<!tpu.dma_semaphore, #tpu.memory_space<semaphore_mem>>)
        %mul3A_575 = arith.constant 4 : i32
        %mul3A_576 = arith.muli %add3A_526, %mul3A_575 : i32
        %add3A_577 = arith.constant 3 : i32
        %add3A_578 = arith.addi %mul3A_576, %add3A_577 : i32
        %dma_start3A_579 = arith.constant 3 : i32
        %dma_start3A_580 = arith.constant 3 : i32
        %dma_start3A_581 = arith.constant 0 : i32
        %dma_start3A_582 = arith.constant 0 : i32
        %dma_start3A_583 = tpu.memref_slice %arg6[%dma_start3A_579, %dma_start3A_580, %dma_start3A_581, %dma_start3A_582] : memref<4x4x50x128xf32, #tpu.memory_space<vmem>> -> memref<1x1x50x128xf32, #tpu.memory_space<vmem>>
        %dma_start3A_584 = tpu.memref_squeeze %dma_start3A_583 : memref<1x1x50x128xf32, #tpu.memory_space<vmem>> -> memref<50x128xf32, #tpu.memory_space<vmem>>
        %dma_start3A_585 = arith.constant 0 : i32
        %dma_start3A_586 = tpu.memref_slice %arg5[%add3A_578, %dma_start3A_585] : memref<128x50xi32, #tpu.memory_space<vmem>> -> memref<1x50xi32, #tpu.memory_space<vmem>>
        %dma_start3A_587 = tpu.memref_squeeze %dma_start3A_586 : memref<1x50xi32, #tpu.memory_space<vmem>> -> memref<50xi32, #tpu.memory_space<vmem>>
        %dma_start3A_588 = arith.constant 0 : i32
        %dma_start3A_589 = arith.constant 0 : i32
        %dma_start3A_590 = tpu.memref_slice %arg3[%dma_start3A_588, %dma_start3A_589] : memref<100000x128xf32, #tpu.memory_space<hbm>> -> memref<100000x128xf32, #tpu.memory_space<hbm>>
        tpu.enqueue_indirect_dma source(%dma_start3A_590 : memref<100000x128xf32, #tpu.memory_space<hbm>>) target(%dma_start3A_584 : memref<50x128xf32, #tpu.memory_space<vmem>>) offsets(%dma_start3A_587 : memref<50xi32, #tpu.memory_space<vmem>>) semaphore(%arg7 : memref<!tpu.dma_semaphore, #tpu.memory_space<semaphore_mem>>)
      } else {
      }
      %add3A_267 = arith.constant 1 : i32
      %add3A_268 = arith.addi %add3A_184, %add3A_267 : i32
      %ge3A_269 = arith.constant 1 : i32
      %ge3A_270 = arith.cmpi sge, %add3A_268, %ge3A_269 : i32
      %convert_element_type3A_271 = arith.extui %ge3A_270 : i1 to i32
      %cond3A_272 = arith.constant 0 : i32
      %cond3A_273 = arith.cmpi ne, %convert_element_type3A_271, %cond3A_272 : i32
      scf.if %cond3A_273 {
        %mul3A_525 = arith.constant 4 : i32
        %mul3A_526 = arith.muli %add3A_268, %mul3A_525 : i32
        %add3A_527 = arith.addi %mul3A_2, %mul3A_526 : i32
        %dma_wait3A_528 = arith.constant 1 : i32
        %dma_wait3A_529 = arith.constant 0 : i32
        %dma_wait3A_530 = arith.constant 0 : i32
        %dma_wait3A_531 = arith.constant 0 : i32
        %dma_wait3A_532 = tpu.memref_slice %arg6[%dma_wait3A_528, %dma_wait3A_529, %dma_wait3A_530, %dma_wait3A_531] : memref<4x4x50x128xf32, #tpu.memory_space<vmem>> -> memref<1x4x50x128xf32, #tpu.memory_space<vmem>>
        %dma_wait3A_533 = tpu.memref_squeeze %dma_wait3A_532 : memref<1x4x50x128xf32, #tpu.memory_space<vmem>> -> memref<4x50x128xf32, #tpu.memory_space<vmem>>
        %dma_wait3A_534 = arith.constant 0 : i32
        %dma_wait3A_535 = arith.constant 0 : i32
        %dma_wait3A_536 = tpu.memref_slice %arg4[%add3A_527, %dma_wait3A_534, %dma_wait3A_535] : memref<4096x50x128xf32, #tpu.memory_space<hbm>> -> memref<4x50x128xf32, #tpu.memory_space<hbm>>
        %dma_wait3A_537 = arith.constant 0 : i32
        %dma_wait3A_538 = arith.constant 0 : i32
        %dma_wait3A_539 = tpu.memref_slice %arg4[%add3A_527, %dma_wait3A_537, %dma_wait3A_538] : memref<4096x50x128xf32, #tpu.memory_space<hbm>> -> memref<4x50x128xf32, #tpu.memory_space<hbm>>
        %dma_wait3A_540 = arith.constant 0 : i32
        %dma_wait3A_541 = arith.constant 0 : i32
        %dma_wait3A_542 = arith.constant 0 : i32
        %dma_wait3A_543 = tpu.memref_slice %arg6[%dma_wait3A_528, %dma_wait3A_540, %dma_wait3A_541, %dma_wait3A_542] : memref<4x4x50x128xf32, #tpu.memory_space<vmem>> -> memref<1x4x50x128xf32, #tpu.memory_space<vmem>>
        %dma_wait3A_544 = tpu.memref_squeeze %dma_wait3A_543 : memref<1x4x50x128xf32, #tpu.memory_space<vmem>> -> memref<4x50x128xf32, #tpu.memory_space<vmem>>
        tpu.wait_dma2 semaphore(%arg8 : memref<!tpu.dma_semaphore, #tpu.memory_space<semaphore_mem>>) src(%dma_wait3A_544 : memref<4x50x128xf32, #tpu.memory_space<vmem>>) dst(%dma_wait3A_539 : memref<4x50x128xf32, #tpu.memory_space<hbm>>)
      } else {
      }
      %dma_wait3A_274 = arith.constant 0 : i32
      %dma_wait3A_275 = arith.constant 1 : i32
      %dma_wait3A_276 = arith.constant 0 : i32
      %dma_wait3A_277 = arith.constant 0 : i32
      %dma_wait3A_278 = arith.constant 0 : i32
      %dma_wait3A_279 = tpu.memref_slice %arg6[%dma_wait3A_275, %dma_wait3A_276, %dma_wait3A_277, %dma_wait3A_278] : memref<4x4x50x128xf32, #tpu.memory_space<vmem>> -> memref<1x1x50x128xf32, #tpu.memory_space<vmem>>
      %dma_wait3A_280 = tpu.memref_squeeze %dma_wait3A_279 : memref<1x1x50x128xf32, #tpu.memory_space<vmem>> -> memref<50x128xf32, #tpu.memory_space<vmem>>
      %dma_wait3A_281 = arith.constant 0 : i32
      %dma_wait3A_282 = tpu.memref_slice %arg5[%dma_wait3A_274, %dma_wait3A_281] : memref<128x50xi32, #tpu.memory_space<vmem>> -> memref<1x50xi32, #tpu.memory_space<vmem>>
      %dma_wait3A_283 = tpu.memref_squeeze %dma_wait3A_282 : memref<1x50xi32, #tpu.memory_space<vmem>> -> memref<50xi32, #tpu.memory_space<vmem>>
      %dma_wait3A_284 = arith.constant 0 : i32
      %dma_wait3A_285 = arith.constant 0 : i32
      %dma_wait3A_286 = tpu.memref_slice %arg3[%dma_wait3A_284, %dma_wait3A_285] : memref<100000x128xf32, #tpu.memory_space<hbm>> -> memref<100000x128xf32, #tpu.memory_space<hbm>>
      tpu.wait_indirect_dma semaphore(%arg7 : memref<!tpu.dma_semaphore, #tpu.memory_space<semaphore_mem>>) src(%dma_wait3A_286 : memref<100000x128xf32, #tpu.memory_space<hbm>>) dst(%dma_wait3A_280 : memref<50x128xf32, #tpu.memory_space<vmem>>)
      %dma_wait3A_287 = arith.constant 0 : i32
      %dma_wait3A_288 = arith.constant 1 : i32
      %dma_wait3A_289 = arith.constant 1 : i32
      %dma_wait3A_290 = arith.constant 0 : i32
      %dma_wait3A_291 = arith.constant 0 : i32
      %dma_wait3A_292 = tpu.memref_slice %arg6[%dma_wait3A_288, %dma_wait3A_289, %dma_wait3A_290, %dma_wait3A_291] : memref<4x4x50x128xf32, #tpu.memory_space<vmem>> -> memref<1x1x50x128xf32, #tpu.memory_space<vmem>>
      %dma_wait3A_293 = tpu.memref_squeeze %dma_wait3A_292 : memref<1x1x50x128xf32, #tpu.memory_space<vmem>> -> memref<50x128xf32, #tpu.memory_space<vmem>>
      %dma_wait3A_294 = arith.constant 0 : i32
      %dma_wait3A_295 = tpu.memref_slice %arg5[%dma_wait3A_287, %dma_wait3A_294] : memref<128x50xi32, #tpu.memory_space<vmem>> -> memref<1x50xi32, #tpu.memory_space<vmem>>
      %dma_wait3A_296 = tpu.memref_squeeze %dma_wait3A_295 : memref<1x50xi32, #tpu.memory_space<vmem>> -> memref<50xi32, #tpu.memory_space<vmem>>
      %dma_wait3A_297 = arith.constant 0 : i32
      %dma_wait3A_298 = arith.constant 0 : i32
      %dma_wait3A_299 = tpu.memref_slice %arg3[%dma_wait3A_297, %dma_wait3A_298] : memref<100000x128xf32, #tpu.memory_space<hbm>> -> memref<100000x128xf32, #tpu.memory_space<hbm>>
      tpu.wait_indirect_dma semaphore(%arg7 : memref<!tpu.dma_semaphore, #tpu.memory_space<semaphore_mem>>) src(%dma_wait3A_299 : memref<100000x128xf32, #tpu.memory_space<hbm>>) dst(%dma_wait3A_293 : memref<50x128xf32, #tpu.memory_space<vmem>>)
      %dma_wait3A_300 = arith.constant 0 : i32
      %dma_wait3A_301 = arith.constant 1 : i32
      %dma_wait3A_302 = arith.constant 2 : i32
      %dma_wait3A_303 = arith.constant 0 : i32
      %dma_wait3A_304 = arith.constant 0 : i32
      %dma_wait3A_305 = tpu.memref_slice %arg6[%dma_wait3A_301, %dma_wait3A_302, %dma_wait3A_303, %dma_wait3A_304] : memref<4x4x50x128xf32, #tpu.memory_space<vmem>> -> memref<1x1x50x128xf32, #tpu.memory_space<vmem>>
      %dma_wait3A_306 = tpu.memref_squeeze %dma_wait3A_305 : memref<1x1x50x128xf32, #tpu.memory_space<vmem>> -> memref<50x128xf32, #tpu.memory_space<vmem>>
      %dma_wait3A_307 = arith.constant 0 : i32
      %dma_wait3A_308 = tpu.memref_slice %arg5[%dma_wait3A_300, %dma_wait3A_307] : memref<128x50xi32, #tpu.memory_space<vmem>> -> memref<1x50xi32, #tpu.memory_space<vmem>>
      %dma_wait3A_309 = tpu.memref_squeeze %dma_wait3A_308 : memref<1x50xi32, #tpu.memory_space<vmem>> -> memref<50xi32, #tpu.memory_space<vmem>>
      %dma_wait3A_310 = arith.constant 0 : i32
      %dma_wait3A_311 = arith.constant 0 : i32
      %dma_wait3A_312 = tpu.memref_slice %arg3[%dma_wait3A_310, %dma_wait3A_311] : memref<100000x128xf32, #tpu.memory_space<hbm>> -> memref<100000x128xf32, #tpu.memory_space<hbm>>
      tpu.wait_indirect_dma semaphore(%arg7 : memref<!tpu.dma_semaphore, #tpu.memory_space<semaphore_mem>>) src(%dma_wait3A_312 : memref<100000x128xf32, #tpu.memory_space<hbm>>) dst(%dma_wait3A_306 : memref<50x128xf32, #tpu.memory_space<vmem>>)
      %dma_wait3A_313 = arith.constant 0 : i32
      %dma_wait3A_314 = arith.constant 1 : i32
      %dma_wait3A_315 = arith.constant 3 : i32
      %dma_wait3A_316 = arith.constant 0 : i32
      %dma_wait3A_317 = arith.constant 0 : i32
      %dma_wait3A_318 = tpu.memref_slice %arg6[%dma_wait3A_314, %dma_wait3A_315, %dma_wait3A_316, %dma_wait3A_317] : memref<4x4x50x128xf32, #tpu.memory_space<vmem>> -> memref<1x1x50x128xf32, #tpu.memory_space<vmem>>
      %dma_wait3A_319 = tpu.memref_squeeze %dma_wait3A_318 : memref<1x1x50x128xf32, #tpu.memory_space<vmem>> -> memref<50x128xf32, #tpu.memory_space<vmem>>
      %dma_wait3A_320 = arith.constant 0 : i32
      %dma_wait3A_321 = tpu.memref_slice %arg5[%dma_wait3A_313, %dma_wait3A_320] : memref<128x50xi32, #tpu.memory_space<vmem>> -> memref<1x50xi32, #tpu.memory_space<vmem>>
      %dma_wait3A_322 = tpu.memref_squeeze %dma_wait3A_321 : memref<1x50xi32, #tpu.memory_space<vmem>> -> memref<50xi32, #tpu.memory_space<vmem>>
      %dma_wait3A_323 = arith.constant 0 : i32
      %dma_wait3A_324 = arith.constant 0 : i32
      %dma_wait3A_325 = tpu.memref_slice %arg3[%dma_wait3A_323, %dma_wait3A_324] : memref<100000x128xf32, #tpu.memory_space<hbm>> -> memref<100000x128xf32, #tpu.memory_space<hbm>>
      tpu.wait_indirect_dma semaphore(%arg7 : memref<!tpu.dma_semaphore, #tpu.memory_space<semaphore_mem>>) src(%dma_wait3A_325 : memref<100000x128xf32, #tpu.memory_space<hbm>>) dst(%dma_wait3A_319 : memref<50x128xf32, #tpu.memory_space<vmem>>)
      %mul3A_326 = arith.constant 4 : i32
      %mul3A_327 = arith.muli %add3A_268, %mul3A_326 : i32
      %add3A_328 = arith.addi %mul3A_2, %mul3A_327 : i32
      %dma_start3A_329 = arith.constant 1 : i32
      %dma_start3A_330 = arith.constant 0 : i32
      %dma_start3A_331 = arith.constant 0 : i32
      %dma_start3A_332 = arith.constant 0 : i32
      %dma_start3A_333 = tpu.memref_slice %arg6[%dma_start3A_329, %dma_start3A_330, %dma_start3A_331, %dma_start3A_332] : memref<4x4x50x128xf32, #tpu.memory_space<vmem>> -> memref<1x4x50x128xf32, #tpu.memory_space<vmem>>
      %dma_start3A_334 = tpu.memref_squeeze %dma_start3A_333 : memref<1x4x50x128xf32, #tpu.memory_space<vmem>> -> memref<4x50x128xf32, #tpu.memory_space<vmem>>
      %dma_start3A_335 = arith.constant 0 : i32
      %dma_start3A_336 = arith.constant 0 : i32
      %dma_start3A_337 = tpu.memref_slice %arg4[%add3A_328, %dma_start3A_335, %dma_start3A_336] : memref<4096x50x128xf32, #tpu.memory_space<hbm>> -> memref<4x50x128xf32, #tpu.memory_space<hbm>>
      %dma_start3A_338 = arith.constant 0 : i32
      %dma_start3A_339 = arith.constant 0 : i32
      %dma_start3A_340 = tpu.memref_slice %arg4[%add3A_328, %dma_start3A_338, %dma_start3A_339] : memref<4096x50x128xf32, #tpu.memory_space<hbm>> -> memref<4x50x128xf32, #tpu.memory_space<hbm>>
      %dma_start3A_341 = arith.constant 0 : i32
      %dma_start3A_342 = arith.constant 0 : i32
      %dma_start3A_343 = arith.constant 0 : i32
      %dma_start3A_344 = tpu.memref_slice %arg6[%dma_start3A_329, %dma_start3A_341, %dma_start3A_342, %dma_start3A_343] : memref<4x4x50x128xf32, #tpu.memory_space<vmem>> -> memref<1x4x50x128xf32, #tpu.memory_space<vmem>>
      %dma_start3A_345 = tpu.memref_squeeze %dma_start3A_344 : memref<1x4x50x128xf32, #tpu.memory_space<vmem>> -> memref<4x50x128xf32, #tpu.memory_space<vmem>>
      tpu.enqueue_dma source(%dma_start3A_345 : memref<4x50x128xf32, #tpu.memory_space<vmem>>) target(%dma_start3A_340 : memref<4x50x128xf32, #tpu.memory_space<hbm>>) target_semaphore(%arg8 : memref<!tpu.dma_semaphore, #tpu.memory_space<semaphore_mem>>)
      %add3A_346 = arith.constant 3 : i32
      %add3A_347 = arith.addi %add3A_268, %add3A_346 : i32
      %lt3A_348 = arith.constant 32 : i32
      %lt3A_349 = arith.cmpi slt, %add3A_347, %lt3A_348 : i32
      %convert_element_type3A_350 = arith.extui %lt3A_349 : i1 to i32
      %cond3A_351 = arith.constant 0 : i32
      %cond3A_352 = arith.cmpi ne, %convert_element_type3A_350, %cond3A_351 : i32
      scf.if %cond3A_352 {
        %add3A_525 = arith.constant 3 : i32
        %add3A_526 = arith.addi %add3A_268, %add3A_525 : i32
        %mul3A_527 = arith.constant 4 : i32
        %mul3A_528 = arith.muli %add3A_526, %mul3A_527 : i32
        %add3A_529 = arith.constant 0 : i32
        %add3A_530 = arith.addi %mul3A_528, %add3A_529 : i32
        %dma_start3A_531 = arith.constant 0 : i32
        %dma_start3A_532 = arith.constant 0 : i32
        %dma_start3A_533 = arith.constant 0 : i32
        %dma_start3A_534 = arith.constant 0 : i32
        %dma_start3A_535 = tpu.memref_slice %arg6[%dma_start3A_531, %dma_start3A_532, %dma_start3A_533, %dma_start3A_534] : memref<4x4x50x128xf32, #tpu.memory_space<vmem>> -> memref<1x1x50x128xf32, #tpu.memory_space<vmem>>
        %dma_start3A_536 = tpu.memref_squeeze %dma_start3A_535 : memref<1x1x50x128xf32, #tpu.memory_space<vmem>> -> memref<50x128xf32, #tpu.memory_space<vmem>>
        %dma_start3A_537 = arith.constant 0 : i32
        %dma_start3A_538 = tpu.memref_slice %arg5[%add3A_530, %dma_start3A_537] : memref<128x50xi32, #tpu.memory_space<vmem>> -> memref<1x50xi32, #tpu.memory_space<vmem>>
        %dma_start3A_539 = tpu.memref_squeeze %dma_start3A_538 : memref<1x50xi32, #tpu.memory_space<vmem>> -> memref<50xi32, #tpu.memory_space<vmem>>
        %dma_start3A_540 = arith.constant 0 : i32
        %dma_start3A_541 = arith.constant 0 : i32
        %dma_start3A_542 = tpu.memref_slice %arg3[%dma_start3A_540, %dma_start3A_541] : memref<100000x128xf32, #tpu.memory_space<hbm>> -> memref<100000x128xf32, #tpu.memory_space<hbm>>
        tpu.enqueue_indirect_dma source(%dma_start3A_542 : memref<100000x128xf32, #tpu.memory_space<hbm>>) target(%dma_start3A_536 : memref<50x128xf32, #tpu.memory_space<vmem>>) offsets(%dma_start3A_539 : memref<50xi32, #tpu.memory_space<vmem>>) semaphore(%arg7 : memref<!tpu.dma_semaphore, #tpu.memory_space<semaphore_mem>>)
        %mul3A_543 = arith.constant 4 : i32
        %mul3A_544 = arith.muli %add3A_526, %mul3A_543 : i32
        %add3A_545 = arith.constant 1 : i32
        %add3A_546 = arith.addi %mul3A_544, %add3A_545 : i32
        %dma_start3A_547 = arith.constant 0 : i32
        %dma_start3A_548 = arith.constant 1 : i32
        %dma_start3A_549 = arith.constant 0 : i32
        %dma_start3A_550 = arith.constant 0 : i32
        %dma_start3A_551 = tpu.memref_slice %arg6[%dma_start3A_547, %dma_start3A_548, %dma_start3A_549, %dma_start3A_550] : memref<4x4x50x128xf32, #tpu.memory_space<vmem>> -> memref<1x1x50x128xf32, #tpu.memory_space<vmem>>
        %dma_start3A_552 = tpu.memref_squeeze %dma_start3A_551 : memref<1x1x50x128xf32, #tpu.memory_space<vmem>> -> memref<50x128xf32, #tpu.memory_space<vmem>>
        %dma_start3A_553 = arith.constant 0 : i32
        %dma_start3A_554 = tpu.memref_slice %arg5[%add3A_546, %dma_start3A_553] : memref<128x50xi32, #tpu.memory_space<vmem>> -> memref<1x50xi32, #tpu.memory_space<vmem>>
        %dma_start3A_555 = tpu.memref_squeeze %dma_start3A_554 : memref<1x50xi32, #tpu.memory_space<vmem>> -> memref<50xi32, #tpu.memory_space<vmem>>
        %dma_start3A_556 = arith.constant 0 : i32
        %dma_start3A_557 = arith.constant 0 : i32
        %dma_start3A_558 = tpu.memref_slice %arg3[%dma_start3A_556, %dma_start3A_557] : memref<100000x128xf32, #tpu.memory_space<hbm>> -> memref<100000x128xf32, #tpu.memory_space<hbm>>
        tpu.enqueue_indirect_dma source(%dma_start3A_558 : memref<100000x128xf32, #tpu.memory_space<hbm>>) target(%dma_start3A_552 : memref<50x128xf32, #tpu.memory_space<vmem>>) offsets(%dma_start3A_555 : memref<50xi32, #tpu.memory_space<vmem>>) semaphore(%arg7 : memref<!tpu.dma_semaphore, #tpu.memory_space<semaphore_mem>>)
        %mul3A_559 = arith.constant 4 : i32
        %mul3A_560 = arith.muli %add3A_526, %mul3A_559 : i32
        %add3A_561 = arith.constant 2 : i32
        %add3A_562 = arith.addi %mul3A_560, %add3A_561 : i32
        %dma_start3A_563 = arith.constant 0 : i32
        %dma_start3A_564 = arith.constant 2 : i32
        %dma_start3A_565 = arith.constant 0 : i32
        %dma_start3A_566 = arith.constant 0 : i32
        %dma_start3A_567 = tpu.memref_slice %arg6[%dma_start3A_563, %dma_start3A_564, %dma_start3A_565, %dma_start3A_566] : memref<4x4x50x128xf32, #tpu.memory_space<vmem>> -> memref<1x1x50x128xf32, #tpu.memory_space<vmem>>
        %dma_start3A_568 = tpu.memref_squeeze %dma_start3A_567 : memref<1x1x50x128xf32, #tpu.memory_space<vmem>> -> memref<50x128xf32, #tpu.memory_space<vmem>>
        %dma_start3A_569 = arith.constant 0 : i32
        %dma_start3A_570 = tpu.memref_slice %arg5[%add3A_562, %dma_start3A_569] : memref<128x50xi32, #tpu.memory_space<vmem>> -> memref<1x50xi32, #tpu.memory_space<vmem>>
        %dma_start3A_571 = tpu.memref_squeeze %dma_start3A_570 : memref<1x50xi32, #tpu.memory_space<vmem>> -> memref<50xi32, #tpu.memory_space<vmem>>
        %dma_start3A_572 = arith.constant 0 : i32
        %dma_start3A_573 = arith.constant 0 : i32
        %dma_start3A_574 = tpu.memref_slice %arg3[%dma_start3A_572, %dma_start3A_573] : memref<100000x128xf32, #tpu.memory_space<hbm>> -> memref<100000x128xf32, #tpu.memory_space<hbm>>
        tpu.enqueue_indirect_dma source(%dma_start3A_574 : memref<100000x128xf32, #tpu.memory_space<hbm>>) target(%dma_start3A_568 : memref<50x128xf32, #tpu.memory_space<vmem>>) offsets(%dma_start3A_571 : memref<50xi32, #tpu.memory_space<vmem>>) semaphore(%arg7 : memref<!tpu.dma_semaphore, #tpu.memory_space<semaphore_mem>>)
        %mul3A_575 = arith.constant 4 : i32
        %mul3A_576 = arith.muli %add3A_526, %mul3A_575 : i32
        %add3A_577 = arith.constant 3 : i32
        %add3A_578 = arith.addi %mul3A_576, %add3A_577 : i32
        %dma_start3A_579 = arith.constant 0 : i32
        %dma_start3A_580 = arith.constant 3 : i32
        %dma_start3A_581 = arith.constant 0 : i32
        %dma_start3A_582 = arith.constant 0 : i32
        %dma_start3A_583 = tpu.memref_slice %arg6[%dma_start3A_579, %dma_start3A_580, %dma_start3A_581, %dma_start3A_582] : memref<4x4x50x128xf32, #tpu.memory_space<vmem>> -> memref<1x1x50x128xf32, #tpu.memory_space<vmem>>
        %dma_start3A_584 = tpu.memref_squeeze %dma_start3A_583 : memref<1x1x50x128xf32, #tpu.memory_space<vmem>> -> memref<50x128xf32, #tpu.memory_space<vmem>>
        %dma_start3A_585 = arith.constant 0 : i32
        %dma_start3A_586 = tpu.memref_slice %arg5[%add3A_578, %dma_start3A_585] : memref<128x50xi32, #tpu.memory_space<vmem>> -> memref<1x50xi32, #tpu.memory_space<vmem>>
        %dma_start3A_587 = tpu.memref_squeeze %dma_start3A_586 : memref<1x50xi32, #tpu.memory_space<vmem>> -> memref<50xi32, #tpu.memory_space<vmem>>
        %dma_start3A_588 = arith.constant 0 : i32
        %dma_start3A_589 = arith.constant 0 : i32
        %dma_start3A_590 = tpu.memref_slice %arg3[%dma_start3A_588, %dma_start3A_589] : memref<100000x128xf32, #tpu.memory_space<hbm>> -> memref<100000x128xf32, #tpu.memory_space<hbm>>
        tpu.enqueue_indirect_dma source(%dma_start3A_590 : memref<100000x128xf32, #tpu.memory_space<hbm>>) target(%dma_start3A_584 : memref<50x128xf32, #tpu.memory_space<vmem>>) offsets(%dma_start3A_587 : memref<50xi32, #tpu.memory_space<vmem>>) semaphore(%arg7 : memref<!tpu.dma_semaphore, #tpu.memory_space<semaphore_mem>>)
      } else {
      }
      %add3A_353 = arith.constant 2 : i32
      %add3A_354 = arith.addi %add3A_184, %add3A_353 : i32
      %ge3A_355 = arith.constant 1 : i32
      %ge3A_356 = arith.cmpi sge, %add3A_354, %ge3A_355 : i32
      %convert_element_type3A_357 = arith.extui %ge3A_356 : i1 to i32
      %cond3A_358 = arith.constant 0 : i32
      %cond3A_359 = arith.cmpi ne, %convert_element_type3A_357, %cond3A_358 : i32
      scf.if %cond3A_359 {
        %mul3A_525 = arith.constant 4 : i32
        %mul3A_526 = arith.muli %add3A_354, %mul3A_525 : i32
        %add3A_527 = arith.addi %mul3A_2, %mul3A_526 : i32
        %dma_wait3A_528 = arith.constant 2 : i32
        %dma_wait3A_529 = arith.constant 0 : i32
        %dma_wait3A_530 = arith.constant 0 : i32
        %dma_wait3A_531 = arith.constant 0 : i32
        %dma_wait3A_532 = tpu.memref_slice %arg6[%dma_wait3A_528, %dma_wait3A_529, %dma_wait3A_530, %dma_wait3A_531] : memref<4x4x50x128xf32, #tpu.memory_space<vmem>> -> memref<1x4x50x128xf32, #tpu.memory_space<vmem>>
        %dma_wait3A_533 = tpu.memref_squeeze %dma_wait3A_532 : memref<1x4x50x128xf32, #tpu.memory_space<vmem>> -> memref<4x50x128xf32, #tpu.memory_space<vmem>>
        %dma_wait3A_534 = arith.constant 0 : i32
        %dma_wait3A_535 = arith.constant 0 : i32
        %dma_wait3A_536 = tpu.memref_slice %arg4[%add3A_527, %dma_wait3A_534, %dma_wait3A_535] : memref<4096x50x128xf32, #tpu.memory_space<hbm>> -> memref<4x50x128xf32, #tpu.memory_space<hbm>>
        %dma_wait3A_537 = arith.constant 0 : i32
        %dma_wait3A_538 = arith.constant 0 : i32
        %dma_wait3A_539 = tpu.memref_slice %arg4[%add3A_527, %dma_wait3A_537, %dma_wait3A_538] : memref<4096x50x128xf32, #tpu.memory_space<hbm>> -> memref<4x50x128xf32, #tpu.memory_space<hbm>>
        %dma_wait3A_540 = arith.constant 0 : i32
        %dma_wait3A_541 = arith.constant 0 : i32
        %dma_wait3A_542 = arith.constant 0 : i32
        %dma_wait3A_543 = tpu.memref_slice %arg6[%dma_wait3A_528, %dma_wait3A_540, %dma_wait3A_541, %dma_wait3A_542] : memref<4x4x50x128xf32, #tpu.memory_space<vmem>> -> memref<1x4x50x128xf32, #tpu.memory_space<vmem>>
        %dma_wait3A_544 = tpu.memref_squeeze %dma_wait3A_543 : memref<1x4x50x128xf32, #tpu.memory_space<vmem>> -> memref<4x50x128xf32, #tpu.memory_space<vmem>>
        tpu.wait_dma2 semaphore(%arg8 : memref<!tpu.dma_semaphore, #tpu.memory_space<semaphore_mem>>) src(%dma_wait3A_544 : memref<4x50x128xf32, #tpu.memory_space<vmem>>) dst(%dma_wait3A_539 : memref<4x50x128xf32, #tpu.memory_space<hbm>>)
      } else {
      }
      %dma_wait3A_360 = arith.constant 0 : i32
      %dma_wait3A_361 = arith.constant 2 : i32
      %dma_wait3A_362 = arith.constant 0 : i32
      %dma_wait3A_363 = arith.constant 0 : i32
      %dma_wait3A_364 = arith.constant 0 : i32
      %dma_wait3A_365 = tpu.memref_slice %arg6[%dma_wait3A_361, %dma_wait3A_362, %dma_wait3A_363, %dma_wait3A_364] : memref<4x4x50x128xf32, #tpu.memory_space<vmem>> -> memref<1x1x50x128xf32, #tpu.memory_space<vmem>>
      %dma_wait3A_366 = tpu.memref_squeeze %dma_wait3A_365 : memref<1x1x50x128xf32, #tpu.memory_space<vmem>> -> memref<50x128xf32, #tpu.memory_space<vmem>>
      %dma_wait3A_367 = arith.constant 0 : i32
      %dma_wait3A_368 = tpu.memref_slice %arg5[%dma_wait3A_360, %dma_wait3A_367] : memref<128x50xi32, #tpu.memory_space<vmem>> -> memref<1x50xi32, #tpu.memory_space<vmem>>
      %dma_wait3A_369 = tpu.memref_squeeze %dma_wait3A_368 : memref<1x50xi32, #tpu.memory_space<vmem>> -> memref<50xi32, #tpu.memory_space<vmem>>
      %dma_wait3A_370 = arith.constant 0 : i32
      %dma_wait3A_371 = arith.constant 0 : i32
      %dma_wait3A_372 = tpu.memref_slice %arg3[%dma_wait3A_370, %dma_wait3A_371] : memref<100000x128xf32, #tpu.memory_space<hbm>> -> memref<100000x128xf32, #tpu.memory_space<hbm>>
      tpu.wait_indirect_dma semaphore(%arg7 : memref<!tpu.dma_semaphore, #tpu.memory_space<semaphore_mem>>) src(%dma_wait3A_372 : memref<100000x128xf32, #tpu.memory_space<hbm>>) dst(%dma_wait3A_366 : memref<50x128xf32, #tpu.memory_space<vmem>>)
      %dma_wait3A_373 = arith.constant 0 : i32
      %dma_wait3A_374 = arith.constant 2 : i32
      %dma_wait3A_375 = arith.constant 1 : i32
      %dma_wait3A_376 = arith.constant 0 : i32
      %dma_wait3A_377 = arith.constant 0 : i32
      %dma_wait3A_378 = tpu.memref_slice %arg6[%dma_wait3A_374, %dma_wait3A_375, %dma_wait3A_376, %dma_wait3A_377] : memref<4x4x50x128xf32, #tpu.memory_space<vmem>> -> memref<1x1x50x128xf32, #tpu.memory_space<vmem>>
      %dma_wait3A_379 = tpu.memref_squeeze %dma_wait3A_378 : memref<1x1x50x128xf32, #tpu.memory_space<vmem>> -> memref<50x128xf32, #tpu.memory_space<vmem>>
      %dma_wait3A_380 = arith.constant 0 : i32
      %dma_wait3A_381 = tpu.memref_slice %arg5[%dma_wait3A_373, %dma_wait3A_380] : memref<128x50xi32, #tpu.memory_space<vmem>> -> memref<1x50xi32, #tpu.memory_space<vmem>>
      %dma_wait3A_382 = tpu.memref_squeeze %dma_wait3A_381 : memref<1x50xi32, #tpu.memory_space<vmem>> -> memref<50xi32, #tpu.memory_space<vmem>>
      %dma_wait3A_383 = arith.constant 0 : i32
      %dma_wait3A_384 = arith.constant 0 : i32
      %dma_wait3A_385 = tpu.memref_slice %arg3[%dma_wait3A_383, %dma_wait3A_384] : memref<100000x128xf32, #tpu.memory_space<hbm>> -> memref<100000x128xf32, #tpu.memory_space<hbm>>
      tpu.wait_indirect_dma semaphore(%arg7 : memref<!tpu.dma_semaphore, #tpu.memory_space<semaphore_mem>>) src(%dma_wait3A_385 : memref<100000x128xf32, #tpu.memory_space<hbm>>) dst(%dma_wait3A_379 : memref<50x128xf32, #tpu.memory_space<vmem>>)
      %dma_wait3A_386 = arith.constant 0 : i32
      %dma_wait3A_387 = arith.constant 2 : i32
      %dma_wait3A_388 = arith.constant 2 : i32
      %dma_wait3A_389 = arith.constant 0 : i32
      %dma_wait3A_390 = arith.constant 0 : i32
      %dma_wait3A_391 = tpu.memref_slice %arg6[%dma_wait3A_387, %dma_wait3A_388, %dma_wait3A_389, %dma_wait3A_390] : memref<4x4x50x128xf32, #tpu.memory_space<vmem>> -> memref<1x1x50x128xf32, #tpu.memory_space<vmem>>
      %dma_wait3A_392 = tpu.memref_squeeze %dma_wait3A_391 : memref<1x1x50x128xf32, #tpu.memory_space<vmem>> -> memref<50x128xf32, #tpu.memory_space<vmem>>
      %dma_wait3A_393 = arith.constant 0 : i32
      %dma_wait3A_394 = tpu.memref_slice %arg5[%dma_wait3A_386, %dma_wait3A_393] : memref<128x50xi32, #tpu.memory_space<vmem>> -> memref<1x50xi32, #tpu.memory_space<vmem>>
      %dma_wait3A_395 = tpu.memref_squeeze %dma_wait3A_394 : memref<1x50xi32, #tpu.memory_space<vmem>> -> memref<50xi32, #tpu.memory_space<vmem>>
      %dma_wait3A_396 = arith.constant 0 : i32
      %dma_wait3A_397 = arith.constant 0 : i32
      %dma_wait3A_398 = tpu.memref_slice %arg3[%dma_wait3A_396, %dma_wait3A_397] : memref<100000x128xf32, #tpu.memory_space<hbm>> -> memref<100000x128xf32, #tpu.memory_space<hbm>>
      tpu.wait_indirect_dma semaphore(%arg7 : memref<!tpu.dma_semaphore, #tpu.memory_space<semaphore_mem>>) src(%dma_wait3A_398 : memref<100000x128xf32, #tpu.memory_space<hbm>>) dst(%dma_wait3A_392 : memref<50x128xf32, #tpu.memory_space<vmem>>)
      %dma_wait3A_399 = arith.constant 0 : i32
      %dma_wait3A_400 = arith.constant 2 : i32
      %dma_wait3A_401 = arith.constant 3 : i32
      %dma_wait3A_402 = arith.constant 0 : i32
      %dma_wait3A_403 = arith.constant 0 : i32
      %dma_wait3A_404 = tpu.memref_slice %arg6[%dma_wait3A_400, %dma_wait3A_401, %dma_wait3A_402, %dma_wait3A_403] : memref<4x4x50x128xf32, #tpu.memory_space<vmem>> -> memref<1x1x50x128xf32, #tpu.memory_space<vmem>>
      %dma_wait3A_405 = tpu.memref_squeeze %dma_wait3A_404 : memref<1x1x50x128xf32, #tpu.memory_space<vmem>> -> memref<50x128xf32, #tpu.memory_space<vmem>>
      %dma_wait3A_406 = arith.constant 0 : i32
      %dma_wait3A_407 = tpu.memref_slice %arg5[%dma_wait3A_399, %dma_wait3A_406] : memref<128x50xi32, #tpu.memory_space<vmem>> -> memref<1x50xi32, #tpu.memory_space<vmem>>
      %dma_wait3A_408 = tpu.memref_squeeze %dma_wait3A_407 : memref<1x50xi32, #tpu.memory_space<vmem>> -> memref<50xi32, #tpu.memory_space<vmem>>
      %dma_wait3A_409 = arith.constant 0 : i32
      %dma_wait3A_410 = arith.constant 0 : i32
      %dma_wait3A_411 = tpu.memref_slice %arg3[%dma_wait3A_409, %dma_wait3A_410] : memref<100000x128xf32, #tpu.memory_space<hbm>> -> memref<100000x128xf32, #tpu.memory_space<hbm>>
      tpu.wait_indirect_dma semaphore(%arg7 : memref<!tpu.dma_semaphore, #tpu.memory_space<semaphore_mem>>) src(%dma_wait3A_411 : memref<100000x128xf32, #tpu.memory_space<hbm>>) dst(%dma_wait3A_405 : memref<50x128xf32, #tpu.memory_space<vmem>>)
      %mul3A_412 = arith.constant 4 : i32
      %mul3A_413 = arith.muli %add3A_354, %mul3A_412 : i32
      %add3A_414 = arith.addi %mul3A_2, %mul3A_413 : i32
      %dma_start3A_415 = arith.constant 2 : i32
      %dma_start3A_416 = arith.constant 0 : i32
      %dma_start3A_417 = arith.constant 0 : i32
      %dma_start3A_418 = arith.constant 0 : i32
      %dma_start3A_419 = tpu.memref_slice %arg6[%dma_start3A_415, %dma_start3A_416, %dma_start3A_417, %dma_start3A_418] : memref<4x4x50x128xf32, #tpu.memory_space<vmem>> -> memref<1x4x50x128xf32, #tpu.memory_space<vmem>>
      %dma_start3A_420 = tpu.memref_squeeze %dma_start3A_419 : memref<1x4x50x128xf32, #tpu.memory_space<vmem>> -> memref<4x50x128xf32, #tpu.memory_space<vmem>>
      %dma_start3A_421 = arith.constant 0 : i32
      %dma_start3A_422 = arith.constant 0 : i32
      %dma_start3A_423 = tpu.memref_slice %arg4[%add3A_414, %dma_start3A_421, %dma_start3A_422] : memref<4096x50x128xf32, #tpu.memory_space<hbm>> -> memref<4x50x128xf32, #tpu.memory_space<hbm>>
      %dma_start3A_424 = arith.constant 0 : i32
      %dma_start3A_425 = arith.constant 0 : i32
      %dma_start3A_426 = tpu.memref_slice %arg4[%add3A_414, %dma_start3A_424, %dma_start3A_425] : memref<4096x50x128xf32, #tpu.memory_space<hbm>> -> memref<4x50x128xf32, #tpu.memory_space<hbm>>
      %dma_start3A_427 = arith.constant 0 : i32
      %dma_start3A_428 = arith.constant 0 : i32
      %dma_start3A_429 = arith.constant 0 : i32
      %dma_start3A_430 = tpu.memref_slice %arg6[%dma_start3A_415, %dma_start3A_427, %dma_start3A_428, %dma_start3A_429] : memref<4x4x50x128xf32, #tpu.memory_space<vmem>> -> memref<1x4x50x128xf32, #tpu.memory_space<vmem>>
      %dma_start3A_431 = tpu.memref_squeeze %dma_start3A_430 : memref<1x4x50x128xf32, #tpu.memory_space<vmem>> -> memref<4x50x128xf32, #tpu.memory_space<vmem>>
      tpu.enqueue_dma source(%dma_start3A_431 : memref<4x50x128xf32, #tpu.memory_space<vmem>>) target(%dma_start3A_426 : memref<4x50x128xf32, #tpu.memory_space<hbm>>) target_semaphore(%arg8 : memref<!tpu.dma_semaphore, #tpu.memory_space<semaphore_mem>>)
      %add3A_432 = arith.constant 3 : i32
      %add3A_433 = arith.addi %add3A_354, %add3A_432 : i32
      %lt3A_434 = arith.constant 32 : i32
      %lt3A_435 = arith.cmpi slt, %add3A_433, %lt3A_434 : i32
      %convert_element_type3A_436 = arith.extui %lt3A_435 : i1 to i32
      %cond3A_437 = arith.constant 0 : i32
      %cond3A_438 = arith.cmpi ne, %convert_element_type3A_436, %cond3A_437 : i32
      scf.if %cond3A_438 {
        %add3A_525 = arith.constant 3 : i32
        %add3A_526 = arith.addi %add3A_354, %add3A_525 : i32
        %mul3A_527 = arith.constant 4 : i32
        %mul3A_528 = arith.muli %add3A_526, %mul3A_527 : i32
        %add3A_529 = arith.constant 0 : i32
        %add3A_530 = arith.addi %mul3A_528, %add3A_529 : i32
        %dma_start3A_531 = arith.constant 1 : i32
        %dma_start3A_532 = arith.constant 0 : i32
        %dma_start3A_533 = arith.constant 0 : i32
        %dma_start3A_534 = arith.constant 0 : i32
        %dma_start3A_535 = tpu.memref_slice %arg6[%dma_start3A_531, %dma_start3A_532, %dma_start3A_533, %dma_start3A_534] : memref<4x4x50x128xf32, #tpu.memory_space<vmem>> -> memref<1x1x50x128xf32, #tpu.memory_space<vmem>>
        %dma_start3A_536 = tpu.memref_squeeze %dma_start3A_535 : memref<1x1x50x128xf32, #tpu.memory_space<vmem>> -> memref<50x128xf32, #tpu.memory_space<vmem>>
        %dma_start3A_537 = arith.constant 0 : i32
        %dma_start3A_538 = tpu.memref_slice %arg5[%add3A_530, %dma_start3A_537] : memref<128x50xi32, #tpu.memory_space<vmem>> -> memref<1x50xi32, #tpu.memory_space<vmem>>
        %dma_start3A_539 = tpu.memref_squeeze %dma_start3A_538 : memref<1x50xi32, #tpu.memory_space<vmem>> -> memref<50xi32, #tpu.memory_space<vmem>>
        %dma_start3A_540 = arith.constant 0 : i32
        %dma_start3A_541 = arith.constant 0 : i32
        %dma_start3A_542 = tpu.memref_slice %arg3[%dma_start3A_540, %dma_start3A_541] : memref<100000x128xf32, #tpu.memory_space<hbm>> -> memref<100000x128xf32, #tpu.memory_space<hbm>>
        tpu.enqueue_indirect_dma source(%dma_start3A_542 : memref<100000x128xf32, #tpu.memory_space<hbm>>) target(%dma_start3A_536 : memref<50x128xf32, #tpu.memory_space<vmem>>) offsets(%dma_start3A_539 : memref<50xi32, #tpu.memory_space<vmem>>) semaphore(%arg7 : memref<!tpu.dma_semaphore, #tpu.memory_space<semaphore_mem>>)
        %mul3A_543 = arith.constant 4 : i32
        %mul3A_544 = arith.muli %add3A_526, %mul3A_543 : i32
        %add3A_545 = arith.constant 1 : i32
        %add3A_546 = arith.addi %mul3A_544, %add3A_545 : i32
        %dma_start3A_547 = arith.constant 1 : i32
        %dma_start3A_548 = arith.constant 1 : i32
        %dma_start3A_549 = arith.constant 0 : i32
        %dma_start3A_550 = arith.constant 0 : i32
        %dma_start3A_551 = tpu.memref_slice %arg6[%dma_start3A_547, %dma_start3A_548, %dma_start3A_549, %dma_start3A_550] : memref<4x4x50x128xf32, #tpu.memory_space<vmem>> -> memref<1x1x50x128xf32, #tpu.memory_space<vmem>>
        %dma_start3A_552 = tpu.memref_squeeze %dma_start3A_551 : memref<1x1x50x128xf32, #tpu.memory_space<vmem>> -> memref<50x128xf32, #tpu.memory_space<vmem>>
        %dma_start3A_553 = arith.constant 0 : i32
        %dma_start3A_554 = tpu.memref_slice %arg5[%add3A_546, %dma_start3A_553] : memref<128x50xi32, #tpu.memory_space<vmem>> -> memref<1x50xi32, #tpu.memory_space<vmem>>
        %dma_start3A_555 = tpu.memref_squeeze %dma_start3A_554 : memref<1x50xi32, #tpu.memory_space<vmem>> -> memref<50xi32, #tpu.memory_space<vmem>>
        %dma_start3A_556 = arith.constant 0 : i32
        %dma_start3A_557 = arith.constant 0 : i32
        %dma_start3A_558 = tpu.memref_slice %arg3[%dma_start3A_556, %dma_start3A_557] : memref<100000x128xf32, #tpu.memory_space<hbm>> -> memref<100000x128xf32, #tpu.memory_space<hbm>>
        tpu.enqueue_indirect_dma source(%dma_start3A_558 : memref<100000x128xf32, #tpu.memory_space<hbm>>) target(%dma_start3A_552 : memref<50x128xf32, #tpu.memory_space<vmem>>) offsets(%dma_start3A_555 : memref<50xi32, #tpu.memory_space<vmem>>) semaphore(%arg7 : memref<!tpu.dma_semaphore, #tpu.memory_space<semaphore_mem>>)
        %mul3A_559 = arith.constant 4 : i32
        %mul3A_560 = arith.muli %add3A_526, %mul3A_559 : i32
        %add3A_561 = arith.constant 2 : i32
        %add3A_562 = arith.addi %mul3A_560, %add3A_561 : i32
        %dma_start3A_563 = arith.constant 1 : i32
        %dma_start3A_564 = arith.constant 2 : i32
        %dma_start3A_565 = arith.constant 0 : i32
        %dma_start3A_566 = arith.constant 0 : i32
        %dma_start3A_567 = tpu.memref_slice %arg6[%dma_start3A_563, %dma_start3A_564, %dma_start3A_565, %dma_start3A_566] : memref<4x4x50x128xf32, #tpu.memory_space<vmem>> -> memref<1x1x50x128xf32, #tpu.memory_space<vmem>>
        %dma_start3A_568 = tpu.memref_squeeze %dma_start3A_567 : memref<1x1x50x128xf32, #tpu.memory_space<vmem>> -> memref<50x128xf32, #tpu.memory_space<vmem>>
        %dma_start3A_569 = arith.constant 0 : i32
        %dma_start3A_570 = tpu.memref_slice %arg5[%add3A_562, %dma_start3A_569] : memref<128x50xi32, #tpu.memory_space<vmem>> -> memref<1x50xi32, #tpu.memory_space<vmem>>
        %dma_start3A_571 = tpu.memref_squeeze %dma_start3A_570 : memref<1x50xi32, #tpu.memory_space<vmem>> -> memref<50xi32, #tpu.memory_space<vmem>>
        %dma_start3A_572 = arith.constant 0 : i32
        %dma_start3A_573 = arith.constant 0 : i32
        %dma_start3A_574 = tpu.memref_slice %arg3[%dma_start3A_572, %dma_start3A_573] : memref<100000x128xf32, #tpu.memory_space<hbm>> -> memref<100000x128xf32, #tpu.memory_space<hbm>>
        tpu.enqueue_indirect_dma source(%dma_start3A_574 : memref<100000x128xf32, #tpu.memory_space<hbm>>) target(%dma_start3A_568 : memref<50x128xf32, #tpu.memory_space<vmem>>) offsets(%dma_start3A_571 : memref<50xi32, #tpu.memory_space<vmem>>) semaphore(%arg7 : memref<!tpu.dma_semaphore, #tpu.memory_space<semaphore_mem>>)
        %mul3A_575 = arith.constant 4 : i32
        %mul3A_576 = arith.muli %add3A_526, %mul3A_575 : i32
        %add3A_577 = arith.constant 3 : i32
        %add3A_578 = arith.addi %mul3A_576, %add3A_577 : i32
        %dma_start3A_579 = arith.constant 1 : i32
        %dma_start3A_580 = arith.constant 3 : i32
        %dma_start3A_581 = arith.constant 0 : i32
        %dma_start3A_582 = arith.constant 0 : i32
        %dma_start3A_583 = tpu.memref_slice %arg6[%dma_start3A_579, %dma_start3A_580, %dma_start3A_581, %dma_start3A_582] : memref<4x4x50x128xf32, #tpu.memory_space<vmem>> -> memref<1x1x50x128xf32, #tpu.memory_space<vmem>>
        %dma_start3A_584 = tpu.memref_squeeze %dma_start3A_583 : memref<1x1x50x128xf32, #tpu.memory_space<vmem>> -> memref<50x128xf32, #tpu.memory_space<vmem>>
        %dma_start3A_585 = arith.constant 0 : i32
        %dma_start3A_586 = tpu.memref_slice %arg5[%add3A_578, %dma_start3A_585] : memref<128x50xi32, #tpu.memory_space<vmem>> -> memref<1x50xi32, #tpu.memory_space<vmem>>
        %dma_start3A_587 = tpu.memref_squeeze %dma_start3A_586 : memref<1x50xi32, #tpu.memory_space<vmem>> -> memref<50xi32, #tpu.memory_space<vmem>>
        %dma_start3A_588 = arith.constant 0 : i32
        %dma_start3A_589 = arith.constant 0 : i32
        %dma_start3A_590 = tpu.memref_slice %arg3[%dma_start3A_588, %dma_start3A_589] : memref<100000x128xf32, #tpu.memory_space<hbm>> -> memref<100000x128xf32, #tpu.memory_space<hbm>>
        tpu.enqueue_indirect_dma source(%dma_start3A_590 : memref<100000x128xf32, #tpu.memory_space<hbm>>) target(%dma_start3A_584 : memref<50x128xf32, #tpu.memory_space<vmem>>) offsets(%dma_start3A_587 : memref<50xi32, #tpu.memory_space<vmem>>) semaphore(%arg7 : memref<!tpu.dma_semaphore, #tpu.memory_space<semaphore_mem>>)
      } else {
      }
      %add3A_439 = arith.constant 3 : i32
      %add3A_440 = arith.addi %add3A_184, %add3A_439 : i32
      %ge3A_441 = arith.constant 1 : i32
      %ge3A_442 = arith.cmpi sge, %add3A_440, %ge3A_441 : i32
      %convert_element_type3A_443 = arith.extui %ge3A_442 : i1 to i32
      %cond3A_444 = arith.constant 0 : i32
      %cond3A_445 = arith.cmpi ne, %convert_element_type3A_443, %cond3A_444 : i32
      scf.if %cond3A_445 {
        %mul3A_525 = arith.constant 4 : i32
        %mul3A_526 = arith.muli %add3A_440, %mul3A_525 : i32
        %add3A_527 = arith.addi %mul3A_2, %mul3A_526 : i32
        %dma_wait3A_528 = arith.constant 3 : i32
        %dma_wait3A_529 = arith.constant 0 : i32
        %dma_wait3A_530 = arith.constant 0 : i32
        %dma_wait3A_531 = arith.constant 0 : i32
        %dma_wait3A_532 = tpu.memref_slice %arg6[%dma_wait3A_528, %dma_wait3A_529, %dma_wait3A_530, %dma_wait3A_531] : memref<4x4x50x128xf32, #tpu.memory_space<vmem>> -> memref<1x4x50x128xf32, #tpu.memory_space<vmem>>
        %dma_wait3A_533 = tpu.memref_squeeze %dma_wait3A_532 : memref<1x4x50x128xf32, #tpu.memory_space<vmem>> -> memref<4x50x128xf32, #tpu.memory_space<vmem>>
        %dma_wait3A_534 = arith.constant 0 : i32
        %dma_wait3A_535 = arith.constant 0 : i32
        %dma_wait3A_536 = tpu.memref_slice %arg4[%add3A_527, %dma_wait3A_534, %dma_wait3A_535] : memref<4096x50x128xf32, #tpu.memory_space<hbm>> -> memref<4x50x128xf32, #tpu.memory_space<hbm>>
        %dma_wait3A_537 = arith.constant 0 : i32
        %dma_wait3A_538 = arith.constant 0 : i32
        %dma_wait3A_539 = tpu.memref_slice %arg4[%add3A_527, %dma_wait3A_537, %dma_wait3A_538] : memref<4096x50x128xf32, #tpu.memory_space<hbm>> -> memref<4x50x128xf32, #tpu.memory_space<hbm>>
        %dma_wait3A_540 = arith.constant 0 : i32
        %dma_wait3A_541 = arith.constant 0 : i32
        %dma_wait3A_542 = arith.constant 0 : i32
        %dma_wait3A_543 = tpu.memref_slice %arg6[%dma_wait3A_528, %dma_wait3A_540, %dma_wait3A_541, %dma_wait3A_542] : memref<4x4x50x128xf32, #tpu.memory_space<vmem>> -> memref<1x4x50x128xf32, #tpu.memory_space<vmem>>
        %dma_wait3A_544 = tpu.memref_squeeze %dma_wait3A_543 : memref<1x4x50x128xf32, #tpu.memory_space<vmem>> -> memref<4x50x128xf32, #tpu.memory_space<vmem>>
        tpu.wait_dma2 semaphore(%arg8 : memref<!tpu.dma_semaphore, #tpu.memory_space<semaphore_mem>>) src(%dma_wait3A_544 : memref<4x50x128xf32, #tpu.memory_space<vmem>>) dst(%dma_wait3A_539 : memref<4x50x128xf32, #tpu.memory_space<hbm>>)
      } else {
      }
      %dma_wait3A_446 = arith.constant 0 : i32
      %dma_wait3A_447 = arith.constant 3 : i32
      %dma_wait3A_448 = arith.constant 0 : i32
      %dma_wait3A_449 = arith.constant 0 : i32
      %dma_wait3A_450 = arith.constant 0 : i32
      %dma_wait3A_451 = tpu.memref_slice %arg6[%dma_wait3A_447, %dma_wait3A_448, %dma_wait3A_449, %dma_wait3A_450] : memref<4x4x50x128xf32, #tpu.memory_space<vmem>> -> memref<1x1x50x128xf32, #tpu.memory_space<vmem>>
      %dma_wait3A_452 = tpu.memref_squeeze %dma_wait3A_451 : memref<1x1x50x128xf32, #tpu.memory_space<vmem>> -> memref<50x128xf32, #tpu.memory_space<vmem>>
      %dma_wait3A_453 = arith.constant 0 : i32
      %dma_wait3A_454 = tpu.memref_slice %arg5[%dma_wait3A_446, %dma_wait3A_453] : memref<128x50xi32, #tpu.memory_space<vmem>> -> memref<1x50xi32, #tpu.memory_space<vmem>>
      %dma_wait3A_455 = tpu.memref_squeeze %dma_wait3A_454 : memref<1x50xi32, #tpu.memory_space<vmem>> -> memref<50xi32, #tpu.memory_space<vmem>>
      %dma_wait3A_456 = arith.constant 0 : i32
      %dma_wait3A_457 = arith.constant 0 : i32
      %dma_wait3A_458 = tpu.memref_slice %arg3[%dma_wait3A_456, %dma_wait3A_457] : memref<100000x128xf32, #tpu.memory_space<hbm>> -> memref<100000x128xf32, #tpu.memory_space<hbm>>
      tpu.wait_indirect_dma semaphore(%arg7 : memref<!tpu.dma_semaphore, #tpu.memory_space<semaphore_mem>>) src(%dma_wait3A_458 : memref<100000x128xf32, #tpu.memory_space<hbm>>) dst(%dma_wait3A_452 : memref<50x128xf32, #tpu.memory_space<vmem>>)
      %dma_wait3A_459 = arith.constant 0 : i32
      %dma_wait3A_460 = arith.constant 3 : i32
      %dma_wait3A_461 = arith.constant 1 : i32
      %dma_wait3A_462 = arith.constant 0 : i32
      %dma_wait3A_463 = arith.constant 0 : i32
      %dma_wait3A_464 = tpu.memref_slice %arg6[%dma_wait3A_460, %dma_wait3A_461, %dma_wait3A_462, %dma_wait3A_463] : memref<4x4x50x128xf32, #tpu.memory_space<vmem>> -> memref<1x1x50x128xf32, #tpu.memory_space<vmem>>
      %dma_wait3A_465 = tpu.memref_squeeze %dma_wait3A_464 : memref<1x1x50x128xf32, #tpu.memory_space<vmem>> -> memref<50x128xf32, #tpu.memory_space<vmem>>
      %dma_wait3A_466 = arith.constant 0 : i32
      %dma_wait3A_467 = tpu.memref_slice %arg5[%dma_wait3A_459, %dma_wait3A_466] : memref<128x50xi32, #tpu.memory_space<vmem>> -> memref<1x50xi32, #tpu.memory_space<vmem>>
      %dma_wait3A_468 = tpu.memref_squeeze %dma_wait3A_467 : memref<1x50xi32, #tpu.memory_space<vmem>> -> memref<50xi32, #tpu.memory_space<vmem>>
      %dma_wait3A_469 = arith.constant 0 : i32
      %dma_wait3A_470 = arith.constant 0 : i32
      %dma_wait3A_471 = tpu.memref_slice %arg3[%dma_wait3A_469, %dma_wait3A_470] : memref<100000x128xf32, #tpu.memory_space<hbm>> -> memref<100000x128xf32, #tpu.memory_space<hbm>>
      tpu.wait_indirect_dma semaphore(%arg7 : memref<!tpu.dma_semaphore, #tpu.memory_space<semaphore_mem>>) src(%dma_wait3A_471 : memref<100000x128xf32, #tpu.memory_space<hbm>>) dst(%dma_wait3A_465 : memref<50x128xf32, #tpu.memory_space<vmem>>)
      %dma_wait3A_472 = arith.constant 0 : i32
      %dma_wait3A_473 = arith.constant 3 : i32
      %dma_wait3A_474 = arith.constant 2 : i32
      %dma_wait3A_475 = arith.constant 0 : i32
      %dma_wait3A_476 = arith.constant 0 : i32
      %dma_wait3A_477 = tpu.memref_slice %arg6[%dma_wait3A_473, %dma_wait3A_474, %dma_wait3A_475, %dma_wait3A_476] : memref<4x4x50x128xf32, #tpu.memory_space<vmem>> -> memref<1x1x50x128xf32, #tpu.memory_space<vmem>>
      %dma_wait3A_478 = tpu.memref_squeeze %dma_wait3A_477 : memref<1x1x50x128xf32, #tpu.memory_space<vmem>> -> memref<50x128xf32, #tpu.memory_space<vmem>>
      %dma_wait3A_479 = arith.constant 0 : i32
      %dma_wait3A_480 = tpu.memref_slice %arg5[%dma_wait3A_472, %dma_wait3A_479] : memref<128x50xi32, #tpu.memory_space<vmem>> -> memref<1x50xi32, #tpu.memory_space<vmem>>
      %dma_wait3A_481 = tpu.memref_squeeze %dma_wait3A_480 : memref<1x50xi32, #tpu.memory_space<vmem>> -> memref<50xi32, #tpu.memory_space<vmem>>
      %dma_wait3A_482 = arith.constant 0 : i32
      %dma_wait3A_483 = arith.constant 0 : i32
      %dma_wait3A_484 = tpu.memref_slice %arg3[%dma_wait3A_482, %dma_wait3A_483] : memref<100000x128xf32, #tpu.memory_space<hbm>> -> memref<100000x128xf32, #tpu.memory_space<hbm>>
      tpu.wait_indirect_dma semaphore(%arg7 : memref<!tpu.dma_semaphore, #tpu.memory_space<semaphore_mem>>) src(%dma_wait3A_484 : memref<100000x128xf32, #tpu.memory_space<hbm>>) dst(%dma_wait3A_478 : memref<50x128xf32, #tpu.memory_space<vmem>>)
      %dma_wait3A_485 = arith.constant 0 : i32
      %dma_wait3A_486 = arith.constant 3 : i32
      %dma_wait3A_487 = arith.constant 3 : i32
      %dma_wait3A_488 = arith.constant 0 : i32
      %dma_wait3A_489 = arith.constant 0 : i32
      %dma_wait3A_490 = tpu.memref_slice %arg6[%dma_wait3A_486, %dma_wait3A_487, %dma_wait3A_488, %dma_wait3A_489] : memref<4x4x50x128xf32, #tpu.memory_space<vmem>> -> memref<1x1x50x128xf32, #tpu.memory_space<vmem>>
      %dma_wait3A_491 = tpu.memref_squeeze %dma_wait3A_490 : memref<1x1x50x128xf32, #tpu.memory_space<vmem>> -> memref<50x128xf32, #tpu.memory_space<vmem>>
      %dma_wait3A_492 = arith.constant 0 : i32
      %dma_wait3A_493 = tpu.memref_slice %arg5[%dma_wait3A_485, %dma_wait3A_492] : memref<128x50xi32, #tpu.memory_space<vmem>> -> memref<1x50xi32, #tpu.memory_space<vmem>>
      %dma_wait3A_494 = tpu.memref_squeeze %dma_wait3A_493 : memref<1x50xi32, #tpu.memory_space<vmem>> -> memref<50xi32, #tpu.memory_space<vmem>>
      %dma_wait3A_495 = arith.constant 0 : i32
      %dma_wait3A_496 = arith.constant 0 : i32
      %dma_wait3A_497 = tpu.memref_slice %arg3[%dma_wait3A_495, %dma_wait3A_496] : memref<100000x128xf32, #tpu.memory_space<hbm>> -> memref<100000x128xf32, #tpu.memory_space<hbm>>
      tpu.wait_indirect_dma semaphore(%arg7 : memref<!tpu.dma_semaphore, #tpu.memory_space<semaphore_mem>>) src(%dma_wait3A_497 : memref<100000x128xf32, #tpu.memory_space<hbm>>) dst(%dma_wait3A_491 : memref<50x128xf32, #tpu.memory_space<vmem>>)
      %mul3A_498 = arith.constant 4 : i32
      %mul3A_499 = arith.muli %add3A_440, %mul3A_498 : i32
      %add3A_500 = arith.addi %mul3A_2, %mul3A_499 : i32
      %dma_start3A_501 = arith.constant 3 : i32
      %dma_start3A_502 = arith.constant 0 : i32
      %dma_start3A_503 = arith.constant 0 : i32
      %dma_start3A_504 = arith.constant 0 : i32
      %dma_start3A_505 = tpu.memref_slice %arg6[%dma_start3A_501, %dma_start3A_502, %dma_start3A_503, %dma_start3A_504] : memref<4x4x50x128xf32, #tpu.memory_space<vmem>> -> memref<1x4x50x128xf32, #tpu.memory_space<vmem>>
      %dma_start3A_506 = tpu.memref_squeeze %dma_start3A_505 : memref<1x4x50x128xf32, #tpu.memory_space<vmem>> -> memref<4x50x128xf32, #tpu.memory_space<vmem>>
      %dma_start3A_507 = arith.constant 0 : i32
      %dma_start3A_508 = arith.constant 0 : i32
      %dma_start3A_509 = tpu.memref_slice %arg4[%add3A_500, %dma_start3A_507, %dma_start3A_508] : memref<4096x50x128xf32, #tpu.memory_space<hbm>> -> memref<4x50x128xf32, #tpu.memory_space<hbm>>
      %dma_start3A_510 = arith.constant 0 : i32
      %dma_start3A_511 = arith.constant 0 : i32
      %dma_start3A_512 = tpu.memref_slice %arg4[%add3A_500, %dma_start3A_510, %dma_start3A_511] : memref<4096x50x128xf32, #tpu.memory_space<hbm>> -> memref<4x50x128xf32, #tpu.memory_space<hbm>>
      %dma_start3A_513 = arith.constant 0 : i32
      %dma_start3A_514 = arith.constant 0 : i32
      %dma_start3A_515 = arith.constant 0 : i32
      %dma_start3A_516 = tpu.memref_slice %arg6[%dma_start3A_501, %dma_start3A_513, %dma_start3A_514, %dma_start3A_515] : memref<4x4x50x128xf32, #tpu.memory_space<vmem>> -> memref<1x4x50x128xf32, #tpu.memory_space<vmem>>
      %dma_start3A_517 = tpu.memref_squeeze %dma_start3A_516 : memref<1x4x50x128xf32, #tpu.memory_space<vmem>> -> memref<4x50x128xf32, #tpu.memory_space<vmem>>
      tpu.enqueue_dma source(%dma_start3A_517 : memref<4x50x128xf32, #tpu.memory_space<vmem>>) target(%dma_start3A_512 : memref<4x50x128xf32, #tpu.memory_space<hbm>>) target_semaphore(%arg8 : memref<!tpu.dma_semaphore, #tpu.memory_space<semaphore_mem>>)
      %add3A_518 = arith.constant 3 : i32
      %add3A_519 = arith.addi %add3A_440, %add3A_518 : i32
      %lt3A_520 = arith.constant 32 : i32
      %lt3A_521 = arith.cmpi slt, %add3A_519, %lt3A_520 : i32
      %convert_element_type3A_522 = arith.extui %lt3A_521 : i1 to i32
      %cond3A_523 = arith.constant 0 : i32
      %cond3A_524 = arith.cmpi ne, %convert_element_type3A_522, %cond3A_523 : i32
      scf.if %cond3A_524 {
        %add3A_525 = arith.constant 3 : i32
        %add3A_526 = arith.addi %add3A_440, %add3A_525 : i32
        %mul3A_527 = arith.constant 4 : i32
        %mul3A_528 = arith.muli %add3A_526, %mul3A_527 : i32
        %add3A_529 = arith.constant 0 : i32
        %add3A_530 = arith.addi %mul3A_528, %add3A_529 : i32
        %dma_start3A_531 = arith.constant 2 : i32
        %dma_start3A_532 = arith.constant 0 : i32
        %dma_start3A_533 = arith.constant 0 : i32
        %dma_start3A_534 = arith.constant 0 : i32
        %dma_start3A_535 = tpu.memref_slice %arg6[%dma_start3A_531, %dma_start3A_532, %dma_start3A_533, %dma_start3A_534] : memref<4x4x50x128xf32, #tpu.memory_space<vmem>> -> memref<1x1x50x128xf32, #tpu.memory_space<vmem>>
        %dma_start3A_536 = tpu.memref_squeeze %dma_start3A_535 : memref<1x1x50x128xf32, #tpu.memory_space<vmem>> -> memref<50x128xf32, #tpu.memory_space<vmem>>
        %dma_start3A_537 = arith.constant 0 : i32
        %dma_start3A_538 = tpu.memref_slice %arg5[%add3A_530, %dma_start3A_537] : memref<128x50xi32, #tpu.memory_space<vmem>> -> memref<1x50xi32, #tpu.memory_space<vmem>>
        %dma_start3A_539 = tpu.memref_squeeze %dma_start3A_538 : memref<1x50xi32, #tpu.memory_space<vmem>> -> memref<50xi32, #tpu.memory_space<vmem>>
        %dma_start3A_540 = arith.constant 0 : i32
        %dma_start3A_541 = arith.constant 0 : i32
        %dma_start3A_542 = tpu.memref_slice %arg3[%dma_start3A_540, %dma_start3A_541] : memref<100000x128xf32, #tpu.memory_space<hbm>> -> memref<100000x128xf32, #tpu.memory_space<hbm>>
        tpu.enqueue_indirect_dma source(%dma_start3A_542 : memref<100000x128xf32, #tpu.memory_space<hbm>>) target(%dma_start3A_536 : memref<50x128xf32, #tpu.memory_space<vmem>>) offsets(%dma_start3A_539 : memref<50xi32, #tpu.memory_space<vmem>>) semaphore(%arg7 : memref<!tpu.dma_semaphore, #tpu.memory_space<semaphore_mem>>)
        %mul3A_543 = arith.constant 4 : i32
        %mul3A_544 = arith.muli %add3A_526, %mul3A_543 : i32
        %add3A_545 = arith.constant 1 : i32
        %add3A_546 = arith.addi %mul3A_544, %add3A_545 : i32
        %dma_start3A_547 = arith.constant 2 : i32
        %dma_start3A_548 = arith.constant 1 : i32
        %dma_start3A_549 = arith.constant 0 : i32
        %dma_start3A_550 = arith.constant 0 : i32
        %dma_start3A_551 = tpu.memref_slice %arg6[%dma_start3A_547, %dma_start3A_548, %dma_start3A_549, %dma_start3A_550] : memref<4x4x50x128xf32, #tpu.memory_space<vmem>> -> memref<1x1x50x128xf32, #tpu.memory_space<vmem>>
        %dma_start3A_552 = tpu.memref_squeeze %dma_start3A_551 : memref<1x1x50x128xf32, #tpu.memory_space<vmem>> -> memref<50x128xf32, #tpu.memory_space<vmem>>
        %dma_start3A_553 = arith.constant 0 : i32
        %dma_start3A_554 = tpu.memref_slice %arg5[%add3A_546, %dma_start3A_553] : memref<128x50xi32, #tpu.memory_space<vmem>> -> memref<1x50xi32, #tpu.memory_space<vmem>>
        %dma_start3A_555 = tpu.memref_squeeze %dma_start3A_554 : memref<1x50xi32, #tpu.memory_space<vmem>> -> memref<50xi32, #tpu.memory_space<vmem>>
        %dma_start3A_556 = arith.constant 0 : i32
        %dma_start3A_557 = arith.constant 0 : i32
        %dma_start3A_558 = tpu.memref_slice %arg3[%dma_start3A_556, %dma_start3A_557] : memref<100000x128xf32, #tpu.memory_space<hbm>> -> memref<100000x128xf32, #tpu.memory_space<hbm>>
        tpu.enqueue_indirect_dma source(%dma_start3A_558 : memref<100000x128xf32, #tpu.memory_space<hbm>>) target(%dma_start3A_552 : memref<50x128xf32, #tpu.memory_space<vmem>>) offsets(%dma_start3A_555 : memref<50xi32, #tpu.memory_space<vmem>>) semaphore(%arg7 : memref<!tpu.dma_semaphore, #tpu.memory_space<semaphore_mem>>)
        %mul3A_559 = arith.constant 4 : i32
        %mul3A_560 = arith.muli %add3A_526, %mul3A_559 : i32
        %add3A_561 = arith.constant 2 : i32
        %add3A_562 = arith.addi %mul3A_560, %add3A_561 : i32
        %dma_start3A_563 = arith.constant 2 : i32
        %dma_start3A_564 = arith.constant 2 : i32
        %dma_start3A_565 = arith.constant 0 : i32
        %dma_start3A_566 = arith.constant 0 : i32
        %dma_start3A_567 = tpu.memref_slice %arg6[%dma_start3A_563, %dma_start3A_564, %dma_start3A_565, %dma_start3A_566] : memref<4x4x50x128xf32, #tpu.memory_space<vmem>> -> memref<1x1x50x128xf32, #tpu.memory_space<vmem>>
        %dma_start3A_568 = tpu.memref_squeeze %dma_start3A_567 : memref<1x1x50x128xf32, #tpu.memory_space<vmem>> -> memref<50x128xf32, #tpu.memory_space<vmem>>
        %dma_start3A_569 = arith.constant 0 : i32
        %dma_start3A_570 = tpu.memref_slice %arg5[%add3A_562, %dma_start3A_569] : memref<128x50xi32, #tpu.memory_space<vmem>> -> memref<1x50xi32, #tpu.memory_space<vmem>>
        %dma_start3A_571 = tpu.memref_squeeze %dma_start3A_570 : memref<1x50xi32, #tpu.memory_space<vmem>> -> memref<50xi32, #tpu.memory_space<vmem>>
        %dma_start3A_572 = arith.constant 0 : i32
        %dma_start3A_573 = arith.constant 0 : i32
        %dma_start3A_574 = tpu.memref_slice %arg3[%dma_start3A_572, %dma_start3A_573] : memref<100000x128xf32, #tpu.memory_space<hbm>> -> memref<100000x128xf32, #tpu.memory_space<hbm>>
        tpu.enqueue_indirect_dma source(%dma_start3A_574 : memref<100000x128xf32, #tpu.memory_space<hbm>>) target(%dma_start3A_568 : memref<50x128xf32, #tpu.memory_space<vmem>>) offsets(%dma_start3A_571 : memref<50xi32, #tpu.memory_space<vmem>>) semaphore(%arg7 : memref<!tpu.dma_semaphore, #tpu.memory_space<semaphore_mem>>)
        %mul3A_575 = arith.constant 4 : i32
        %mul3A_576 = arith.muli %add3A_526, %mul3A_575 : i32
        %add3A_577 = arith.constant 3 : i32
        %add3A_578 = arith.addi %mul3A_576, %add3A_577 : i32
        %dma_start3A_579 = arith.constant 2 : i32
        %dma_start3A_580 = arith.constant 3 : i32
        %dma_start3A_581 = arith.constant 0 : i32
        %dma_start3A_582 = arith.constant 0 : i32
        %dma_start3A_583 = tpu.memref_slice %arg6[%dma_start3A_579, %dma_start3A_580, %dma_start3A_581, %dma_start3A_582] : memref<4x4x50x128xf32, #tpu.memory_space<vmem>> -> memref<1x1x50x128xf32, #tpu.memory_space<vmem>>
        %dma_start3A_584 = tpu.memref_squeeze %dma_start3A_583 : memref<1x1x50x128xf32, #tpu.memory_space<vmem>> -> memref<50x128xf32, #tpu.memory_space<vmem>>
        %dma_start3A_585 = arith.constant 0 : i32
        %dma_start3A_586 = tpu.memref_slice %arg5[%add3A_578, %dma_start3A_585] : memref<128x50xi32, #tpu.memory_space<vmem>> -> memref<1x50xi32, #tpu.memory_space<vmem>>
        %dma_start3A_587 = tpu.memref_squeeze %dma_start3A_586 : memref<1x50xi32, #tpu.memory_space<vmem>> -> memref<50xi32, #tpu.memory_space<vmem>>
        %dma_start3A_588 = arith.constant 0 : i32
        %dma_start3A_589 = arith.constant 0 : i32
        %dma_start3A_590 = tpu.memref_slice %arg3[%dma_start3A_588, %dma_start3A_589] : memref<100000x128xf32, #tpu.memory_space<hbm>> -> memref<100000x128xf32, #tpu.memory_space<hbm>>
        tpu.enqueue_indirect_dma source(%dma_start3A_590 : memref<100000x128xf32, #tpu.memory_space<hbm>>) target(%dma_start3A_584 : memref<50x128xf32, #tpu.memory_space<vmem>>) offsets(%dma_start3A_587 : memref<50xi32, #tpu.memory_space<vmem>>) semaphore(%arg7 : memref<!tpu.dma_semaphore, #tpu.memory_space<semaphore_mem>>)
      } else {
      }
    }
    %scan3A_161 = arith.constant 8 : i32
    %add3A_162 = arith.constant 0 : i32
    %add3A_163 = arith.addi %mul3A_2, %add3A_162 : i32
    %dma_wait3A = arith.constant 0 : i32
    %dma_wait3A_164 = arith.constant 0 : i32
    %dma_wait3A_165 = arith.constant 0 : i32
    %dma_wait3A_166 = arith.constant 0 : i32
    %dma_wait3A_167 = tpu.memref_slice %arg6[%dma_wait3A, %dma_wait3A_164, %dma_wait3A_165, %dma_wait3A_166] : memref<4x4x50x128xf32, #tpu.memory_space<vmem>> -> memref<1x4x50x128xf32, #tpu.memory_space<vmem>>
    %dma_wait3A_168 = tpu.memref_squeeze %dma_wait3A_167 : memref<1x4x50x128xf32, #tpu.memory_space<vmem>> -> memref<4x50x128xf32, #tpu.memory_space<vmem>>
    %dma_wait3A_169 = arith.constant 0 : i32
    %dma_wait3A_170 = arith.constant 0 : i32
    %dma_wait3A_171 = tpu.memref_slice %arg4[%add3A_163, %dma_wait3A_169, %dma_wait3A_170] : memref<4096x50x128xf32, #tpu.memory_space<hbm>> -> memref<4x50x128xf32, #tpu.memory_space<hbm>>
    %dma_wait3A_172 = arith.constant 0 : i32
    %dma_wait3A_173 = arith.constant 0 : i32
    %dma_wait3A_174 = tpu.memref_slice %arg4[%add3A_163, %dma_wait3A_172, %dma_wait3A_173] : memref<4096x50x128xf32, #tpu.memory_space<hbm>> -> memref<4x50x128xf32, #tpu.memory_space<hbm>>
    %dma_wait3A_175 = arith.constant 0 : i32
    %dma_wait3A_176 = arith.constant 0 : i32
    %dma_wait3A_177 = arith.constant 0 : i32
    %dma_wait3A_178 = tpu.memref_slice %arg6[%dma_wait3A, %dma_wait3A_175, %dma_wait3A_176, %dma_wait3A_177] : memref<4x4x50x128xf32, #tpu.memory_space<vmem>> -> memref<1x4x50x128xf32, #tpu.memory_space<vmem>>
    %dma_wait3A_179 = tpu.memref_squeeze %dma_wait3A_178 : memref<1x4x50x128xf32, #tpu.memory_space<vmem>> -> memref<4x50x128xf32, #tpu.memory_space<vmem>>
    tpu.wait_dma2 semaphore(%arg8 : memref<!tpu.dma_semaphore, #tpu.memory_space<semaphore_mem>>) src(%dma_wait3A_179 : memref<4x50x128xf32, #tpu.memory_space<vmem>>) dst(%dma_wait3A_174 : memref<4x50x128xf32, #tpu.memory_space<hbm>>)
    return
  }
}

</mosaic_0001>

<sc_bundles>
// kernel: kernel.3.cloned.1.call-start
scs
__scs_entry_jumppad:
0x0: {  	(pc) =	sbr.rel $0x88, $3  }
0x1: {  	(tag) =	ssettag $0x0;
	lr =	simm.s32 $0x1  }
0x2: {  	[smem:$0x3F9F] =	sst lr;
	_ =	strace $0xD0000000  }
0x3: {  	_ = 	snop  }
0x4: {  	_ = 	snop  }
0x5: {  	_ = 	snop  }
0x6: {  	_ = 	snop  }
0x7: {  	_ = 	snop  }
__scs_overlays_trampoline_lowered:
0x8: {  	[smem:$0x3FAE] =	sst s0  }
0x9: {  	[smem:$0x3FAF] =	sst s1  }
0xa: {  	[smem:$0x3FB0] =	sst s2  }
0xb: {  	[smem:$0x3FB1] =	sst s3  }
0xc: {  	[smem:$0x3FB2] =	sst s4  }
0xd: {  	[smem:$0x3FB3] =	sst s5  }
0xe: {  	[smem:$0x3FB4] =	sst s6  }
0xf: {  	[smem:$0x3FB5] =	sst s7  }
0x10: {  	[smem:$0x3FB6] =	sst s8  }
0x11: {  	[smem:$0x3FB7] =	sst s9;
	s0 =	simm.s32 @!p0 $0x0  }
0x12: {  	s1 =	sld [smem:$0x3F9D];
	s0 =	simm.s32 @p0 $0x1  }
0x13: {  	[smem:$0x3FB8] =	sst s0;
	s0 =	simm.s32 @!p1 $0x0  }
0x14: {  	s2 =	sld [smem:$0x3F9C];
	s0 =	simm.s32 @p1 $0x1  }
0x15: {  	[smem:$0x3FB9] =	sst s0;
	s0 =	simm.s32 @!p2 $0x0  }
0x16: {  	s3 =	sld [smem:$0x3FDB];
	s0 =	simm.s32 @p2 $0x1  }
0x17: {  	s4 =	simm.s32 $0x1BF5;
	[smem:$0x3FBB] =	sst s0  }
0x18: {  	s0 =	sld [smem:$0x3F9E];
	_ =	swait.ge [sflag:s4], $0x0  }
0x19: {  	s7 =	sld [smem:$0x3F9F]  }
0x1a: {  	s8 =	sadd.s32 $0xFFFFE003, lr  }
0x1b: {  	s9 =	sadd.s32 $0xFFFFFEF7, lr;
	s5 =	simm.s32 $0xFFFFFFFF;
	p2 =	slt.u32 s8, $0xFFFFF086  }
0x1c: {  	p1 =	slt.u32 s9, $0xF7A;
	s5 =	simm.s32 @!p2 $0x0  }
0x1d: {  	s5 =	simm.s32 @p1 $0x1;
	p0 =	seq.s32 s7, s2  }
0x1e: {  	s7 =	smul.u32 @!p0 $0xF7A, s2;
	p2 =	seq.s32 @!p0 s5, $0x0  }
0x1f: {  	s9 =	smul.u32 $0xF7A, s1;
	s8 =	simm.s32 @!p0 $0x1BF5;
	p2 =	por !p2, p0  }
0x20: {  	[sflag:s8] =	ssyncset.s32 @!p0 $0xFFFFF086;
	s6 =	sadd.s32 @!p0 s3, s7;
	s7 =	simm.s32 @!p0 $0x108  }
0x21: {  	s3 =	sadd.s32 s3, s9;
	s6 =	sadd.s32 @!p0 $0x88, s6;
	s7 =	simm.s32 @p2 $0x1082  }
0x22: {  	[simem:s7], [sflag:s8] =	dma.local @!p0 [hbm:s6], $0xF7A  }
0x23: {  	s9 =	sor.u32 $0xD0000000, s2;
	s6 =	simm.s32 $0x108;
	_ =	swait.ge @!p0 [sflag:s8], $0x0  }
0x24: {  	s3 =	sadd.s32 $0x88, s3;
	s6 =	simm.s32 @!p1 $0x1082;
	[sflag:s4] =	ssyncset.s32 $0xFFFFF086  }
0x25: {  	[simem:s6], [sflag:s4] =	dma.local [hbm:s3], $0xF7A  }
0x26: {  	[smem:$0x3F9F] =	sst s1;
	(tag) =	ssettag s2;
	_ =	strace s9  }
0x27: {  	s1 =	sld [smem:$0x3FAF]  }
0x28: {  	s2 =	sld [smem:$0x3FB0]  }
0x29: {  	s4 =	sld [smem:$0x3FB2]  }
0x2a: {  	p0 =	seq.s32 s5, $0x0;
	s5 =	sld [smem:$0x3FB3]  }
0x2b: {  	s6 =	sld [smem:$0x3FB4]  }
0x2c: {  	s7 =	sld [smem:$0x3FB5]  }
0x2d: {  	s3 =	simm.s32 $0x108;
	s8 =	sld [smem:$0x3FB6]  }
0x2e: {  	s3 =	simm.s32 @!p0 $0x1082;
	s9 =	sld [smem:$0x3FB7]  }
0x2f: {  	lr =	sadd.s32 s0, s3;
	s0 =	sld [smem:$0x3FAE]  }
0x30: {  	s3 =	sld [smem:$0x3FB1]  }
0x31: {  	[smem:$0x3FBA] =	sst s10  }
0x32: {  	s10 =	sld [smem:$0x3FB8];
	_ =	sdelay $0x3  }
0x33: {  	p0 =	seq.s32 s10, $0x1;
	s10 =	sld [smem:$0x3FBA];
	_ =	sdelay $0x3  }
0x34: {  	[smem:$0x3FBA] =	sst s10  }
0x35: {  	s10 =	sld [smem:$0x3FB9];
	_ =	sdelay $0x3  }
0x36: {  	p1 =	seq.s32 s10, $0x1;
	s10 =	sld [smem:$0x3FBA];
	_ =	sdelay $0x3  }
0x37: {  	[smem:$0x3FBA] =	sst s10  }
0x38: {  	s10 =	sld [smem:$0x3FBB]  }
0x39: {  	_ = 	snop;
	(pc) =	sbr.ind lr, $3  }
0x3a: {  	_ = 	snop  }
0x3b: {  	_ = 	snop  }
0x3c: {  	p2 =	seq.s32 s10, $0x1;
	s10 =	sld [smem:$0x3FBA]  }
0x3d: {  	_ =	shalt  }
0x3e: {  	_ =	shalt  }
0x3f: {  	_ =	shalt  }
0x40: {  	_ =	shalt  }
0x41: {  	_ =	shalt  }
0x42: {  	_ =	shalt  }
0x43: {  	_ =	shalt  }
0x44: {  	_ =	shalt  }
0x45: {  	_ =	shalt  }
0x46: {  	_ =	shalt  }
0x47: {  	_ =	shalt  }
0x48: {  	_ =	shalt  }
0x49: {  	_ =	shalt  }
0x4a: {  	_ =	shalt  }
0x4b: {  	_ =	shalt  }
0x4c: {  	_ =	shalt  }
0x4d: {  	_ =	shalt  }
0x4e: {  	_ =	shalt  }
0x4f: {  	_ =	shalt  }
0x50: {  	_ =	shalt  }
0x51: {  	_ =	shalt  }
0x52: {  	_ =	shalt  }
0x53: {  	_ =	shalt  }
0x54: {  	_ =	shalt  }
0x55: {  	_ =	shalt  }
0x56: {  	_ =	shalt  }
0x57: {  	_ =	shalt  }
0x58: {  	_ =	shalt  }
0x59: {  	_ =	shalt  }
0x5a: {  	_ =	shalt  }
0x5b: {  	_ =	shalt  }
0x5c: {  	_ =	shalt  }
0x5d: {  	_ =	shalt  }
0x5e: {  	_ =	shalt  }
0x5f: {  	_ =	shalt  }
0x60: {  	_ =	shalt  }
0x61: {  	_ =	shalt  }
0x62: {  	_ =	shalt  }
0x63: {  	_ =	shalt  }
0x64: {  	_ =	shalt  }
0x65: {  	_ =	shalt  }
0x66: {  	_ =	shalt  }
0x67: {  	_ =	shalt  }
0x68: {  	_ =	shalt  }
0x69: {  	_ =	shalt  }
0x6a: {  	_ =	shalt  }
0x6b: {  	_ =	shalt  }
0x6c: {  	_ =	shalt  }
0x6d: {  	_ =	shalt  }
0x6e: {  	_ =	shalt  }
0x6f: {  	_ =	shalt  }
0x70: {  	_ =	shalt  }
0x71: {  	_ =	shalt  }
0x72: {  	_ =	shalt  }
0x73: {  	_ =	shalt  }
0x74: {  	_ =	shalt  }
0x75: {  	_ =	shalt  }
0x76: {  	_ =	shalt  }
0x77: {  	_ =	shalt  }
0x78: {  	_ =	shalt  }
0x79: {  	_ =	shalt  }
0x7a: {  	_ =	shalt  }
0x7b: {  	_ =	shalt  }
0x7c: {  	_ =	shalt  }
0x7d: {  	_ =	shalt  }
0x7e: {  	_ =	shalt  }
0x7f: {  	_ =	shalt  }
0x80: {  	_ =	shalt  }
0x81: {  	_ =	shalt  }
0x82: {  	_ =	shalt  }
0x83: {  	_ =	shalt  }
0x84: {  	_ =	shalt  }
0x85: {  	_ =	shalt  }
0x86: {  	_ =	shalt  }
0x87: {  	_ =	shalt  }
.Lfunc_end0:
.L_simem_size_0:
called_computation_lowered:
.L_overlay_start_0:
0x88: {  	s2 =	sld [smem:$0x3FD9]  }
0x89: {  	s3 =	sld [smem:$0x3FFE];
	_ =	sdelay $0x1  }
0x8a: {  	s1 =	srdreg.scid  }
0x8b: {  	s0 =	sand.u32 $0x1, s1  }
0x8c: {  	s17 =	sshll.u32 s0, $0xA;
	s2 =	sadd.s32 s3, s2  }
0x8d: {  	s2 =	sadd.s32 s2, s17  }
0x8e: {  	[smem:$0x3FC6] =	sst s2  }
0x8f: {  	_ = 	snop  }
0x90: {  	s2 =	sld [smem:$0x3FC8]  }
0x91: {  	s18 =	sld [smem:$0x3FD0];
	(tm) =	ssettm $0x1  }
0x92: {  	s4 =	sld [smem:$0x3FFB];
	_ =	sdelay $0x3  }
0x93: {  	_ =	strace s4  }
0x94: {  	s4 =	sld [smem:$0x3FFC];
	_ =	sdelay $0x3  }
0x95: {  	_ =	strace s4  }
0x96: {  	s4 =	sld [smem:$0x3FFD];
	_ =	sdelay $0x3  }
0x97: {  	_ =	strace s4  }
0x98: {  	_ =	strace $0x8FFFFFFF  }
0x99: {  	s19 =	sld [smem:$0x3FDB];
	_ =	sdelay $0x1  }
0x9a: {  	s5 =	simm.s32 $_scs_section_size  }
0x9b: {  	s6 =	simm.s32 $_size__tile_overlayer_lowered;
	s7 =	simm.s32 $_tile_overlayer_lowered  }
0x9c: {  	s22 =	simm.s32 $0x1BFF;
	s21 =	sshll.u32 s7, $0x1;
	s4 =	sadd.s32 s5, s19  }
0x9d: {  	s8 =	simm.s32 $0x0;
	s20 =	sshll.u32 s6, $0x1;
	s6 =	sadd.s32 s21, s4  }
0x9e: {  	[timem:s8], [sflag:s22] =	dma.local [hbm:s6], s20  }
0x9f: {  	_ =	swait.ge [sflag:s22], s20  }
0xa0: {  	s5 =	ssub.s32 $0x0, s20;
	[sflag:s22] =	ssyncset.done $0x0  }
0xa1: {  	[sflag:s22] =	ssyncadd.s32 s5;
	_ =	sdelay $0x1  }
0xa2: {  	s23 =	simm.s32 $0x1B8B  }
0xa3: {  	_ =	swait.ge [sflag:s23], $0x1  }
0xa4: {  	[sflag:s23] =	ssyncset.done $0x0  }
0xa5: {  	s25 =	simm.s32 $0x1B8E;
	s24 =	sld [smem:$0x3FFE];
	[sflag:s23] =	ssyncadd.s32 $0xFFFFFFFF  }
0xa6: {  	s26 =	simm.s32 $execute0_lowered;
	[smem:$0x3FD2] =	sst s25  }
0xa7: {  	s6 =	sshll.u32 s26, $0x1;
	_ =	strace $0x80000046;
	[dreg:$0x1] =	wrdreg $0xFFFFFFFF  }
0xa8: {  	s28 =	simm.s32 $_size_execute0_lowered;
	s4 =	sadd.s32 s4, s6;
	[dreg:$0x0] =	wrdreg $0x0  }
0xa9: {  	s6 =	sshll.u32 s28, $0x1;
	[dreg:$0x2] =	wrdreg s4  }
0xaa: {  	[dreg:$0x3] =	wrdreg s6  }
0xab: {  	[dreg:$0x4] =	wrdreg $0xC0  }
0xac: {  	_ =	task [dreg:s8], $0x5FFFF  }
0xad: {  	[dreg:$0x1] =	wrdreg $0xFFFFFFFF  }
0xae: {  	[dreg:$0x0] =	wrdreg $0x60  }
0xaf: {  	[dreg:$0x2] =	wrdreg s18  }
0xb0: {  	[dreg:$0x3] =	wrdreg s2  }
0xb1: {  	[dreg:$0x4] =	wrdreg s24  }
0xb2: {  	[dreg:$0x5] =	wrdreg $0x9  }
0xb3: {  	_ =	task.clear_ibuf [dreg:s8], $0x6FFFF;
	_ =	strace $0x90000046  }
0xb4: {  	s29 =	simm.s32 $0x9;
	_ =	strace $0x80000048  }
0xb5: {  	_ =	swait.ge [sflag:s29], $0x1  }
0xb6: {  	[sflag:s29] =	ssyncadd.s32 $0xFFFFFFFF  }
0xb7: {  	_ =	strace $0x90000048  }
0xb8: {  	_ =	sfence  }
0xb9: {  	s30 =	sld [smem:$0x0];
	_ =	sdelay $0x2  }
0xba: {  	s31 =	sshll.u32 s1, $0xD;
	s1 =	sshrl.u32 s1, $0x2  }
0xbb: {  	s3 =	sand.u32 $0x4000, s31;
	s1 =	sadd.s32 s1, s30  }
0xbc: {  	s0 =	sor.u32 s3, s0;
	s1 =	sshll.u32 s1, $0x11  }
0xbd: {  	s0 =	sor.u32 s1, s0  }
0xbe: {  	s0 =	sadd.s32 $0x8F2B, s0  }
0xbf: {  	[sflag:s0] =	ssyncadd.remote.s32 $0x1  }
0xc0: {  	_ =	sfence.sel $0xFFFF  }
0xc1: {  	[dreg:$0x0] =	wrdreg $0xFFFFFFFF;
	(pc) =	sbr.abs _section_cstart, $3  }
0xc2: {  	[dreg:$0x1] =	wrdreg $0xFFFFFFFF  }
0xc3: {  	_ =	task.clear_ibuf [dreg:s8], $0x2FFFF;
	_ =	strace $0x9FFFFFFF  }
0xc4: {  	(tm) =	ssettm $0x7FFFFFFF  }
0xc5: {  	_ =	shalt  }
tec
execute0_lowered:
.L_overlay_start_1:
0x0: {  	(tag) =	ssettag $0x1  }
0x1: {  	s0 =	rddreg [dreg:$0x0]  }
0x2: {  	s1 =	rddreg [dreg:$0x1]  }
0x3: {  	s2 =	rddreg [dreg:$0x2];
	s4 =	srdreg.scid  }
0x4: {  	s3 =	simm.s32 $0x0;
	s8 =	stileid.u32;
	s11 =	simm.s32 $0x5C00  }
0x5: {  	s13 =	simm.s32 $0x7800;
	s15 =	simm.s32 $0x9400;
	s17 =	simm.s32 $0xB000  }
0x6: {  	s19 =	simm.s32 $0xCC00;
	s21 =	simm.s32 $0xE800;
	s23 =	simm.s32 $0x10400  }
0x7: {  	s25 =	simm.s32 $0x12000;
	s28 =	simm.s32 $0x13C00;
	s30 =	simm.s32 $0x15800  }
0x8: {  	s12 =	simm.s32 $0x1AC00;
	s14 =	simm.s32 $0x1C800;
	s16 =	simm.s32 $0x1E400  }
0x9: {  	s18 =	simm.s32 $0x2;
	s20 =	simm.s32 $0x0;
	s4 =	sand.u32 $0x1, s4  }
0xa: {  	[smem:$0x7FF] =	sst s3;
	s6 =	smul.u32 $0x38000, s8;
	s8 =	sshll.u32 s8, $0xC  }
0xb: {  	s5 =	ssub.s32 $0x2, s4;
	_ =	strace $0x80000047;
	s9 =	sshll.u32 s4, $0xB  }
0xc: {  	s10 =	smul.u32 $0x1C000, s4;
	s7 =	sshrl.u32 s5, $0x1;
	s2 =	sadd.s32 s6, s2  }
.Ltmp0:
0xd: {  	s26 =	sor.u32 s9, s8;
	s8 =	simm.s32 $0x32;
	(pc) =	sbr.rel .LBB2_1-.Ltmp0, $4  }
0xe: {  	s9 =	simm.s32 $0x4000;
	s5 =	ssub.s32 s5, s7;
	s0 =	sadd.s32 s0, s26  }
0xf: {  	s31 =	sadd.s32 s10, s2;
	s7 =	simm.s32 $0x3;
	s2 =	simm.s32 $0x1  }
0x10: {  	s10 =	simm.s32 $0x19000;
	[dreg:$0x4] =	wrdreg s0;
	s29 =	smax.u32 s5, $0x1  }
0x11: {  	s22 =	sadd.s32 $0x400, s31;
	s0 =	simm.s32 $0x17400;
	[dreg:$0x5] =	wrdreg s29  }
.LBB2_4:
0x12: {  	_ =	swait.ge [sflag:s18], $0x6400  }
0x13: {  	s20 =	sadd.s32 $0x1, s20;
	s4 =	rddreg [dreg:$0x5]  }
0x14: {  	p0 =	sne.s32 s20, s4  }
.Ltmp1:
0x15: {  	_ = 	snop;
	(pc) =	sbr.rel @!p0 .LBB2_5-.Ltmp1, $3  }
0x16: {  	_ =	sdelay $0x1  }
0x17: {  	[sflag:s18] =	ssyncset.done $0x0  }
0x18: {  	[sflag:s18] =	ssyncadd.s32 $0xFFFF9C00  }
.LBB2_1:
0x19: {  	s4 =	rddreg [dreg:$0x4]  }
0x1a: {  	[tilespmem:s3], [sflag:$0x3] =	stream.linear.gather [hbm4b:s4+s3], $0x4000, $0x38;
	v63 =	vld [tilespmem:$0x0]  }
0x1b: {  	_ =	swait.ge [sflag:s7], $0x4000  }
0x1c: {  	[sflag:s7] =	ssyncset.done $0x0  }
0x1d: {  	[sflag:s7] =	ssyncadd.s32 $0xFFFFC000  }
0x1e: {  	[tilespmem:s9], [sflag:$0x1] =	stream.indirect.gather [hbm4b:s1+s8], $0x80, s3, s8, $0xb8;
	v63 =	vld [tilespmem:$0x0]  }
0x1f: {  	s6 =	simm.s32 $0x80  }
0x20: {  	[tilespmem:s11], [sflag:$0x1] =	stream.indirect.gather [hbm4b:s1+s8], $0x80, s6, s8, $0xb8;
	v63 =	vld [tilespmem:$0x0]  }
0x21: {  	s24 =	simm.s32 $0x100  }
0x22: {  	[tilespmem:s13], [sflag:$0x1] =	stream.indirect.gather [hbm4b:s1+s8], $0x80, s24, s8, $0xb8;
	v63 =	vld [tilespmem:$0x0]  }
0x23: {  	s26 =	simm.s32 $0x180  }
0x24: {  	[tilespmem:s15], [sflag:$0x1] =	stream.indirect.gather [hbm4b:s1+s8], $0x80, s26, s8, $0xb8;
	v63 =	vld [tilespmem:$0x0]  }
0x25: {  	s29 =	simm.s32 $0x200  }
0x26: {  	[tilespmem:s17], [sflag:$0x1] =	stream.indirect.gather [hbm4b:s1+s8], $0x80, s29, s8, $0xb8;
	v63 =	vld [tilespmem:$0x0]  }
0x27: {  	s31 =	simm.s32 $0x280  }
0x28: {  	[tilespmem:s19], [sflag:$0x1] =	stream.indirect.gather [hbm4b:s1+s8], $0x80, s31, s8, $0xb8;
	v63 =	vld [tilespmem:$0x0]  }
0x29: {  	s5 =	simm.s32 $0x300  }
0x2a: {  	[tilespmem:s21], [sflag:$0x1] =	stream.indirect.gather [hbm4b:s1+s8], $0x80, s5, s8, $0xb8;
	v63 =	vld [tilespmem:$0x0]  }
0x2b: {  	s6 =	simm.s32 $0x380  }
0x2c: {  	[tilespmem:s23], [sflag:$0x1] =	stream.indirect.gather [hbm4b:s1+s8], $0x80, s6, s8, $0xb8;
	v63 =	vld [tilespmem:$0x0]  }
0x2d: {  	s24 =	simm.s32 $0x400  }
0x2e: {  	[tilespmem:s25], [sflag:$0x1] =	stream.indirect.gather [hbm4b:s1+s8], $0x80, s24, s8, $0xb8;
	v63 =	vld [tilespmem:$0x0]  }
0x2f: {  	s26 =	simm.s32 $0x480  }
0x30: {  	[tilespmem:s28], [sflag:$0x1] =	stream.indirect.gather [hbm4b:s1+s8], $0x80, s26, s8, $0xb8;
	v63 =	vld [tilespmem:$0x0]  }
0x31: {  	s29 =	simm.s32 $0x500  }
0x32: {  	[tilespmem:s30], [sflag:$0x1] =	stream.indirect.gather [hbm4b:s1+s8], $0x80, s29, s8, $0xb8;
	v63 =	vld [tilespmem:$0x0]  }
0x33: {  	s31 =	simm.s32 $0x580;
	s6 =	smov.u32 s22;
	s24 =	simm.s32 $0x0  }
0x34: {  	[tilespmem:s0], [sflag:$0x1] =	stream.indirect.gather [hbm4b:s1+s8], $0x80, s31, s8, $0xb8;
	v63 =	vld [tilespmem:$0x0]  }
.LBB2_2:
0x35: {  	p0 =	seq.s32 s24, $0x0  }
0x36: {  	s26 =	simm.s32 @!p0 $0x2  }
0x37: {  	_ =	swait.ge @!p0 [sflag:s26], $0x6400  }
0x38: {  	[sflag:s26] =	ssyncset.done @!p0 $0x0  }
0x39: {  	[sflag:s26] =	ssyncadd.s32 @!p0 $0xFFFF9C00  }
0x3a: {  	_ =	swait.ge [sflag:s2], $0x1900  }
0x3b: {  	[sflag:s2] =	ssyncset.done $0x0  }
0x3c: {  	[sflag:s2] =	ssyncadd.s32 $0xFFFFE700  }
0x3d: {  	_ =	swait.ge [sflag:s2], $0x1900  }
0x3e: {  	[sflag:s2] =	ssyncset.done $0x0  }
0x3f: {  	[sflag:s2] =	ssyncadd.s32 $0xFFFFE700  }
0x40: {  	_ =	swait.ge [sflag:s2], $0x1900  }
0x41: {  	[sflag:s2] =	ssyncset.done $0x0  }
0x42: {  	[sflag:s2] =	ssyncadd.s32 $0xFFFFE700  }
0x43: {  	_ =	swait.ge [sflag:s2], $0x1900  }
0x44: {  	[sflag:s2] =	ssyncset.done $0x0  }
0x45: {  	[sflag:s2] =	ssyncadd.s32 $0xFFFFE700  }
0x46: {  	[hbm4b:s6+s3] =	stream.linear.scatter [tilespmem:s9], [sflag:$0x2], $0x1900, $0x38;
	v63 =	vld [tilespmem:$0x0]  }
0x47: {  	s29 =	sadd.s32 $0x380, s6  }
0x48: {  	[hbm4b:s29+s3] =	stream.linear.scatter [tilespmem:s11], [sflag:$0x2], $0x1900, $0x38;
	v63 =	vld [tilespmem:$0x0]  }
0x49: {  	s31 =	sadd.s32 $0x700, s6  }
0x4a: {  	[hbm4b:s31+s3] =	stream.linear.scatter [tilespmem:s13], [sflag:$0x2], $0x1900, $0x38;
	v63 =	vld [tilespmem:$0x0]  }
0x4b: {  	s4 =	sadd.s32 $0xA80, s6;
	s26 =	sshra.s32 s24, $0x2  }
0x4c: {  	[hbm4b:s4+s3] =	stream.linear.scatter [tilespmem:s15], [sflag:$0x2], $0x1900, $0x38;
	v63 =	vld [tilespmem:$0x0]  }
0x4d: {  	s29 =	sadd.s32 $0x600, s26  }
0x4e: {  	[tilespmem:s10], [sflag:$0x1] =	stream.indirect.gather [hbm4b:s1+s8], $0x80, s29, s8, $0xb8;
	v63 =	vld [tilespmem:$0x0]  }
0x4f: {  	s5 =	sadd.s32 $0x680, s26  }
0x50: {  	[tilespmem:s12], [sflag:$0x1] =	stream.indirect.gather [hbm4b:s1+s8], $0x80, s5, s8, $0xb8;
	v63 =	vld [tilespmem:$0x0]  }
0x51: {  	s31 =	sadd.s32 $0x700, s26  }
0x52: {  	[tilespmem:s14], [sflag:$0x1] =	stream.indirect.gather [hbm4b:s1+s8], $0x80, s31, s8, $0xb8;
	v63 =	vld [tilespmem:$0x0]  }
0x53: {  	s4 =	sadd.s32 $0x780, s26  }
0x54: {  	[tilespmem:s16], [sflag:$0x1] =	stream.indirect.gather [hbm4b:s1+s8], $0x80, s4, s8, $0xb8;
	v63 =	vld [tilespmem:$0x0]  }
0x55: {  	_ =	swait.ge [sflag:s18], $0x6400  }
0x56: {  	[sflag:s18] =	ssyncset.done $0x0  }
0x57: {  	[sflag:s18] =	ssyncadd.s32 $0xFFFF9C00  }
0x58: {  	_ =	swait.ge [sflag:s2], $0x1900  }
0x59: {  	[sflag:s2] =	ssyncset.done $0x0  }
0x5a: {  	[sflag:s2] =	ssyncadd.s32 $0xFFFFE700  }
0x5b: {  	_ =	swait.ge [sflag:s2], $0x1900  }
0x5c: {  	[sflag:s2] =	ssyncset.done $0x0  }
0x5d: {  	[sflag:s2] =	ssyncadd.s32 $0xFFFFE700  }
0x5e: {  	_ =	swait.ge [sflag:s2], $0x1900  }
0x5f: {  	[sflag:s2] =	ssyncset.done $0x0  }
0x60: {  	[sflag:s2] =	ssyncadd.s32 $0xFFFFE700  }
0x61: {  	_ =	swait.ge [sflag:s2], $0x1900  }
0x62: {  	[sflag:s2] =	ssyncset.done $0x0  }
0x63: {  	s5 =	sadd.s32 $0xE00, s6;
	[sflag:s2] =	ssyncadd.s32 $0xFFFFE700  }
0x64: {  	[hbm4b:s5+s3] =	stream.linear.scatter [tilespmem:s17], [sflag:$0x2], $0x1900, $0x38;
	v63 =	vld [tilespmem:$0x0]  }
0x65: {  	s31 =	sadd.s32 $0x1180, s6  }
0x66: {  	[hbm4b:s31+s3] =	stream.linear.scatter [tilespmem:s19], [sflag:$0x2], $0x1900, $0x38;
	v63 =	vld [tilespmem:$0x0]  }
0x67: {  	p0 =	seq.s32 s24, $0xE000;
	s4 =	sadd.s32 $0x1500, s6  }
0x68: {  	[hbm4b:s4+s3] =	stream.linear.scatter [tilespmem:s21], [sflag:$0x2], $0x1900, $0x38;
	v63 =	vld [tilespmem:$0x0]  }
0x69: {  	s29 =	sshra.s32 @!p0 s24, $0x2;
	s5 =	sadd.s32 $0x1880, s6  }
0x6a: {  	[hbm4b:s5+s3] =	stream.linear.scatter [tilespmem:s23], [sflag:$0x2], $0x1900, $0x38;
	v63 =	vld [tilespmem:$0x0]  }
0x6b: {  	s31 =	sadd.s32 @!p0 $0x800, s29;
	s4 =	simm.s32 @!p0 $0x32;
	s5 =	simm.s32 @!p0 $0x4000  }
0x6c: {  	[tilespmem:s5], [sflag:$0x1] =	stream.indirect.gather @!p0 [hbm4b:s1+s4], $0x80, s31, s4, $0xb8;
	v63 =	vld [tilespmem:$0x0]  }
0x6d: {  	s5 =	sadd.s32 @!p0 $0x880, s29;
	s31 =	simm.s32 @!p0 $0x5C00  }
0x6e: {  	[tilespmem:s31], [sflag:$0x1] =	stream.indirect.gather @!p0 [hbm4b:s1+s4], $0x80, s5, s4, $0xb8;
	v63 =	vld [tilespmem:$0x0]  }
0x6f: {  	s5 =	sadd.s32 @!p0 $0x900, s29;
	s31 =	simm.s32 @!p0 $0x7800  }
0x70: {  	[tilespmem:s31], [sflag:$0x1] =	stream.indirect.gather @!p0 [hbm4b:s1+s4], $0x80, s5, s4, $0xb8;
	v63 =	vld [tilespmem:$0x0]  }
0x71: {  	s5 =	sadd.s32 @!p0 $0x980, s29;
	s31 =	simm.s32 @!p0 $0x9400  }
0x72: {  	[tilespmem:s31], [sflag:$0x1] =	stream.indirect.gather @!p0 [hbm4b:s1+s4], $0x80, s5, s4, $0xb8;
	v63 =	vld [tilespmem:$0x0]  }
0x73: {  	_ =	swait.ge [sflag:s18], $0x6400  }
0x74: {  	[sflag:s18] =	ssyncset.done $0x0  }
0x75: {  	[sflag:s18] =	ssyncadd.s32 $0xFFFF9C00  }
0x76: {  	_ =	swait.ge [sflag:s2], $0x1900  }
0x77: {  	[sflag:s2] =	ssyncset.done $0x0  }
0x78: {  	[sflag:s2] =	ssyncadd.s32 $0xFFFFE700  }
0x79: {  	_ =	swait.ge [sflag:s2], $0x1900  }
0x7a: {  	[sflag:s2] =	ssyncset.done $0x0  }
0x7b: {  	[sflag:s2] =	ssyncadd.s32 $0xFFFFE700  }
0x7c: {  	_ =	swait.ge [sflag:s2], $0x1900  }
0x7d: {  	[sflag:s2] =	ssyncset.done $0x0  }
0x7e: {  	[sflag:s2] =	ssyncadd.s32 $0xFFFFE700  }
0x7f: {  	_ =	swait.ge [sflag:s2], $0x1900  }
0x80: {  	[sflag:s2] =	ssyncset.done $0x0  }
0x81: {  	s31 =	sadd.s32 $0x1C00, s6;
	[sflag:s2] =	ssyncadd.s32 $0xFFFFE700  }
0x82: {  	[hbm4b:s31+s3] =	stream.linear.scatter [tilespmem:s25], [sflag:$0x2], $0x1900, $0x38;
	v63 =	vld [tilespmem:$0x0]  }
0x83: {  	s31 =	sadd.s32 $0x1F80, s6  }
0x84: {  	[hbm4b:s31+s3] =	stream.linear.scatter [tilespmem:s28], [sflag:$0x2], $0x1900, $0x38;
	v63 =	vld [tilespmem:$0x0]  }
0x85: {  	s31 =	sadd.s32 $0x2300, s6  }
0x86: {  	[hbm4b:s31+s3] =	stream.linear.scatter [tilespmem:s30], [sflag:$0x2], $0x1900, $0x38;
	v63 =	vld [tilespmem:$0x0]  }
0x87: {  	s31 =	sadd.s32 $0x2680, s6  }
0x88: {  	[hbm4b:s31+s3] =	stream.linear.scatter [tilespmem:s0], [sflag:$0x2], $0x1900, $0x38;
	v63 =	vld [tilespmem:$0x0]  }
0x89: {  	s5 =	sadd.s32 @!p0 $0xA00, s29;
	s31 =	simm.s32 @!p0 $0xB000  }
0x8a: {  	[tilespmem:s31], [sflag:$0x1] =	stream.indirect.gather @!p0 [hbm4b:s1+s4], $0x80, s5, s4, $0xb8;
	v63 =	vld [tilespmem:$0x0]  }
0x8b: {  	s5 =	sadd.s32 @!p0 $0xA80, s29;
	s31 =	simm.s32 @!p0 $0xCC00  }
0x8c: {  	[tilespmem:s31], [sflag:$0x1] =	stream.indirect.gather @!p0 [hbm4b:s1+s4], $0x80, s5, s4, $0xb8;
	v63 =	vld [tilespmem:$0x0]  }
0x8d: {  	s5 =	sadd.s32 @!p0 $0xB00, s29;
	s31 =	simm.s32 @!p0 $0xE800  }
0x8e: {  	[tilespmem:s31], [sflag:$0x1] =	stream.indirect.gather @!p0 [hbm4b:s1+s4], $0x80, s5, s4, $0xb8;
	v63 =	vld [tilespmem:$0x0]  }
0x8f: {  	s5 =	sadd.s32 @!p0 $0xB80, s29;
	s29 =	simm.s32 @!p0 $0x10400  }
0x90: {  	[tilespmem:s29], [sflag:$0x1] =	stream.indirect.gather @!p0 [hbm4b:s1+s4], $0x80, s5, s4, $0xb8;
	v63 =	vld [tilespmem:$0x0]  }
0x91: {  	_ =	swait.ge [sflag:s18], $0x6400  }
0x92: {  	[sflag:s18] =	ssyncset.done $0x0  }
0x93: {  	[sflag:s18] =	ssyncadd.s32 $0xFFFF9C00  }
0x94: {  	_ =	swait.ge [sflag:s2], $0x1900  }
0x95: {  	[sflag:s2] =	ssyncset.done $0x0  }
0x96: {  	[sflag:s2] =	ssyncadd.s32 $0xFFFFE700  }
0x97: {  	_ =	swait.ge [sflag:s2], $0x1900  }
0x98: {  	[sflag:s2] =	ssyncset.done $0x0  }
0x99: {  	[sflag:s2] =	ssyncadd.s32 $0xFFFFE700  }
0x9a: {  	_ =	swait.ge [sflag:s2], $0x1900  }
0x9b: {  	[sflag:s2] =	ssyncset.done $0x0  }
0x9c: {  	[sflag:s2] =	ssyncadd.s32 $0xFFFFE700  }
0x9d: {  	_ =	swait.ge [sflag:s2], $0x1900  }
0x9e: {  	[sflag:s2] =	ssyncset.done $0x0  }
0x9f: {  	s31 =	sadd.s32 $0x2A00, s6;
	[sflag:s2] =	ssyncadd.s32 $0xFFFFE700  }
0xa0: {  	[hbm4b:s31+s3] =	stream.linear.scatter [tilespmem:s10], [sflag:$0x2], $0x1900, $0x38;
	v63 =	vld [tilespmem:$0x0]  }
0xa1: {  	s5 =	sadd.s32 $0x2D80, s6  }
0xa2: {  	[hbm4b:s5+s3] =	stream.linear.scatter [tilespmem:s12], [sflag:$0x2], $0x1900, $0x38;
	v63 =	vld [tilespmem:$0x0]  }
.Ltmp2:
0xa3: {  	_ = 	snop;
	(pc) =	sbr.rel @p0 .LBB2_4-.Ltmp2, $4  }
0xa4: {  	s29 =	sadd.s32 $0x3100, s6  }
0xa5: {  	[hbm4b:s29+s3] =	stream.linear.scatter [tilespmem:s14], [sflag:$0x2], $0x1900, $0x38;
	v63 =	vld [tilespmem:$0x0]  }
0xa6: {  	s31 =	sadd.s32 $0x3480, s6  }
0xa7: {  	[hbm4b:s31+s3] =	stream.linear.scatter [tilespmem:s16], [sflag:$0x2], $0x1900, $0x38;
	v63 =	vld [tilespmem:$0x0]  }
0xa8: {  	s4 =	sadd.s32 $0xC00, s26  }
0xa9: {  	[tilespmem:s25], [sflag:$0x1] =	stream.indirect.gather [hbm4b:s1+s8], $0x80, s4, s8, $0xb8;
	v63 =	vld [tilespmem:$0x0]  }
0xaa: {  	s5 =	sadd.s32 $0xC80, s26  }
0xab: {  	[tilespmem:s28], [sflag:$0x1] =	stream.indirect.gather [hbm4b:s1+s8], $0x80, s5, s8, $0xb8;
	v63 =	vld [tilespmem:$0x0]  }
.Ltmp3:
0xac: {  	_ = 	snop;
	(pc) =	sbr.rel .LBB2_2-.Ltmp3, $4  }
0xad: {  	s29 =	sadd.s32 $0xD00, s26  }
0xae: {  	[tilespmem:s30], [sflag:$0x1] =	stream.indirect.gather [hbm4b:s1+s8], $0x80, s29, s8, $0xb8;
	v63 =	vld [tilespmem:$0x0]  }
0xaf: {  	s31 =	sadd.s32 $0xD80, s26;
	s24 =	sadd.s32 $0x2000, s24;
	s6 =	sadd.s32 $0x3800, s6  }
0xb0: {  	[tilespmem:s0], [sflag:$0x1] =	stream.indirect.gather [hbm4b:s1+s8], $0x80, s31, s8, $0xb8;
	v63 =	vld [tilespmem:$0x0]  }
.LBB2_5:
0xb1: {  	_ =	sfence.sel $0x180000  }
0xb2: {  	[bflag:$0x0] =	sbarrier.arrive $0xFFFF  }
0xb3: {  	_ =	strace $0x90000047  }
0xb4: {  	s0 =	stileid.u32;
	[bflag:$0x2] =	sbarrier.arrive $0xFFFF  }
0xb5: {  	p0 =	sne.s32 s0, $0x0;
	s0 =	rddreg [dreg:$0x3]  }
0xb6: {  	s0 =	sadd.s32 @!p0 $0x100000, s0  }
0xb7: {  	[sflag:s0] =	ssyncadd.tile.s32 @!p0 $0x1;
	_ =	shalt  }
.Lfunc_end2:
_tile_overlayer_lowered:
.L_overlay_start_2:
0xb8: {  	(tag) =	ssettag $0x2  }
0xb9: {  	s0 =	rddreg [dreg:$0x0];
	s2 =	stileid.u32  }
0xba: {  	s1 =	rddreg [dreg:$0x1];
	p0 =	sne.s32 s2, $0x0  }
0xbb: {  	s3 =	rddreg [dreg:$0x2];
	[bflag:$0x3] =	sbarrier.arrive $0xFFFF;
	s2 =	simm.s32 @!p0 $0x1C03  }
0xbc: {  	[timem:s3], [sflag:s2] =	dma.local @!p0 [hbm:s0], s1  }
0xbd: {  	s0 =	simm.s32 @!p0 $0x3  }
0xbe: {  	_ =	swait.ge @!p0 [sflag:s0], s1  }
0xbf: {  	s1 =	ssub.s32 @!p0 $0x0, s1;
	[sflag:s0] =	ssyncset.done @!p0 $0x0  }
0xc0: {  	[sflag:s0] =	ssyncadd.s32 @!p0 s1  }
0xc1: {  	[bflag:$0x3] =	sbarrier.arrive $0xFFFF  }
0xc2: {  	_ =	shalt  }

</sc_bundles>
